<compile_context>
chip_gen: v7x
topology: tpu7x:2x2x1
jax: 0.10.2.dev20260603
libtpu: 0.0.44.dev20260713+nightly
codegen_flags: <defaults>
</compile_context>

<pallas_src>
import functools

import jax
import jax.numpy as jnp
from jax import lax
from jax.experimental import pallas as pl
from jax.experimental.pallas import tpu as pltpu
from jax.experimental.pallas import tpu_sc as plsc

_EMBED = 32
_CODES = 8192
_BLOCK_M = 1024


_LANES = 128


def _dist_argmin_body(xn_ref, wn_ref, x2_ref, w_ref, idx_ref):
    x2 = x2_ref[...]
    w = w_ref[...]
    mm2 = lax.dot_general(
        x2.astype(jnp.bfloat16), w.astype(jnp.bfloat16),
        (((1,), (1,)), ((), ())), preferred_element_type=jnp.float32
    )
    xn = xn_ref[...]
    wn = wn_ref[...]
    nb = _CODES // 2
    ns = nb // _LANES
    lane = lax.broadcasted_iota(jnp.int32, (_BLOCK_M, _LANES), 1)
    acc_q = jnp.full((_BLOCK_M,), jnp.inf, dtype=jnp.float32)
    acc_i = jnp.zeros((_BLOCK_M,), dtype=jnp.int32)
    for b in range(2):
        base = b * nb
        run_v = (xn + wn[:, base:base + _LANES]) - mm2[:, base:base + _LANES]
        run_s = jnp.zeros((_BLOCK_M, _LANES), dtype=jnp.int32)
        for s in range(1, ns):
            lo = base + s * _LANES
            dv = (xn + wn[:, lo:lo + _LANES]) - mm2[:, lo:lo + _LANES]
            lt = dv < run_v
            run_v = jnp.where(lt, dv, run_v)
            run_s = jnp.where(lt, jnp.int32(s), run_s)
        m = jnp.min(run_v, axis=1)
        cand = run_s * jnp.int32(_LANES) + lane
        g = jnp.min(jnp.where(run_v == m[:, None], cand, jnp.int32(_CODES)), axis=1)
        take = m < acc_q
        acc_q = jnp.where(take, m.astype(jnp.bfloat16).astype(jnp.float32), acc_q)
        acc_i = jnp.where(take, g + jnp.int32(base), acc_i)
    idx_ref[...] = acc_i.reshape(1, 1, _BLOCK_M)


def _dist_argmin(xn, wn, flat, w, interpret=False):
    nb = flat.shape[0] // _BLOCK_M
    idx3 = pl.pallas_call(
        _dist_argmin_body,
        grid=(nb,),
        in_specs=[
            pl.BlockSpec((_BLOCK_M, 1), lambda i: (i, 0)),
            pl.BlockSpec((1, _CODES), lambda i: (0, 0)),
            pl.BlockSpec((_BLOCK_M, _EMBED), lambda i: (i, 0)),
            pl.BlockSpec((_CODES, _EMBED), lambda i: (0, 0)),
        ],
        out_specs=pl.BlockSpec((1, 1, _BLOCK_M), lambda i: (i, 0, 0)),
        out_shape=jax.ShapeDtypeStruct((nb, 1, _BLOCK_M), jnp.int32),
        interpret=interpret,
    )(xn, wn, flat, w)
    return idx3.reshape(-1)


_CHUNK = 128


def _sc_gather(table, idx, n_rows):
    info = plsc.get_sparse_core_info()
    nw = info.num_cores * info.num_subcores
    b_per_w = n_rows // nw
    n_ch = b_per_w // _CHUNK
    d = table.shape[1]
    mesh = plsc.VectorSubcoreMesh(core_axis_name="c", subcore_axis_name="s")

    @functools.partial(
        pl.kernel,
        mesh=mesh,
        out_type=jax.ShapeDtypeStruct((n_rows, d), jnp.float32),
        scratch_types=[
            pltpu.VMEM((n_ch, _CHUNK), jnp.int32),
            pltpu.VMEM((b_per_w, d), jnp.float32),
            pltpu.SemaphoreType.DMA,
        ],
        compiler_params=pltpu.CompilerParams(use_tc_tiling_on_sc=False),
    )
    def gather_k(table_hbm, idx_hbm, out_hbm, idx_v, rows_v, sem):
        wid = lax.axis_index("s") * info.num_cores + lax.axis_index("c")
        base = wid * b_per_w
        pltpu.sync_copy(idx_hbm.at[pl.ds(wid * n_ch, n_ch)], idx_v)
        copies = [
            pltpu.async_copy(
                table_hbm.at[idx_v.at[j]],
                rows_v.at[pl.ds(j * _CHUNK, _CHUNK)],
                sem,
            )
            for j in range(n_ch)
        ]
        for c in copies:
            c.wait()
        pltpu.sync_copy(rows_v, out_hbm.at[pl.ds(base, b_per_w)])

    return gather_k(table, idx.reshape(-1, _CHUNK))


def kernel(inputs, W):
    input_shape = inputs.shape
    flat = inputs.reshape(-1, _EMBED)
    n_rows = flat.shape[0]
    xn = jnp.sum(flat ** 2, axis=1, keepdims=True)
    wn = jnp.sum(W ** 2, axis=1).reshape(1, _CODES)
    idx = _dist_argmin(xn, wn, flat * 2.0, W)
    quantized = _sc_gather(W, idx, n_rows).reshape(input_shape)
    quantized_st = inputs + lax.stop_gradient(quantized - inputs)
    indices = idx.reshape(input_shape[:-1])
    return (quantized_st, indices, jnp.array(0.0, dtype=jnp.float32))

# --- scband reference (transcript-rebuilt; emitter-appended) ---
"""Pipeline reference for scband-vector-quantizer-76544907149316 (READ-ONLY COPY).

The authoritative reference and input builder live on the scoring server;
editing this copy changes nothing except your own understanding.
"""

import jax, jax.numpy as jnp
import numpy as np

EMBEDDING_DIM = 32
NUM_EMBEDDINGS = 8192


def setup_inputs(seed: int = 0) -> dict:
    key = jax.random.key(seed)
    k1, k2 = jax.random.split(key)
    inputs = jax.random.normal(k1, (16, 1024, EMBEDDING_DIM), dtype=jnp.float32)
    # codebook initialized uniform(-1/K, 1/K) as in the torch module
    W = jax.random.uniform(k2, (NUM_EMBEDDINGS, EMBEDDING_DIM), minval=-1.0 / NUM_EMBEDDINGS, maxval=1.0 / NUM_EMBEDDINGS, dtype=jnp.float32)
    return {"inputs": inputs, "W": W}


def reference(inputs, W):
    # eval-mode forward of VectorQuantizer
    input_shape = inputs.shape
    flat_input = inputs.reshape(-1, EMBEDDING_DIM)
    # squared L2 distances to every codebook entry
    distances = (
        jnp.sum(flat_input ** 2, axis=1, keepdims=True)
        + jnp.sum(W ** 2, axis=1)
        - 2.0 * jnp.matmul(flat_input, W.T)
    )
    encoding_indices = jnp.argmin(distances, axis=1)
    # one_hot @ W is mathematically a row-gather; use jnp.take (SparseCore-friendly)
    quantized = jnp.take(W, encoding_indices, axis=0)
    quantized = quantized.reshape(input_shape)
    # eval mode: commitment loss is 0
    commitment_loss = jnp.array(0.0, dtype=jnp.float32)
    # straight-through estimator
    quantized_st = inputs + jax.lax.stop_gradient(quantized - inputs)
    indices = encoding_indices.reshape(input_shape[:-1])
    return (quantized_st, indices, commitment_loss)

if __name__ == "__main__":
    import jax
    _d = setup_inputs()
    print(jax.jit(kernel)(*tuple(_d.values())))

</pallas_src>

<mosaic_0001>
#map = affine_map<(d0, d1) -> (0, 0)>
module attributes {stable_mosaic.version = 14 : i64} {
  func.func @gather_k(%arg0: i32, %arg1: i32, %arg2: memref<8192x32xf32, #tpu.memory_space<hbm>>, %arg3: memref<128x128xi32, #tpu.memory_space<hbm>>, %arg4: memref<16384x32xf32, #tpu.memory_space<hbm>>, %arg5: memref<4x128xi32, #tpu.memory_space<vmem>>, %arg6: memref<512x32xf32, #tpu.memory_space<vmem>>, %arg7: memref<!tpu.dma_semaphore, #tpu.memory_space<semaphore_mem>>) attributes {dimension_semantics = [#tpu.dimension_semantics<core_parallel>, #tpu.dimension_semantics<subcore_parallel>], iteration_bounds = array<i64: 2, 16>, scalar_prefetch = 0 : i64, scratch_operands = 3 : i64, tpu.core_type = #tpu.core_type<sc_vector_subcore>, window_params = [{transform_indices = #map}, {transform_indices = #map}, {transform_indices = #map}]} {
    %mul3A = arith.constant 2 : i32
    %mul3A_0 = arith.muli %arg1, %mul3A : i32
    %add3A = arith.addi %mul3A_0, %arg0 : i32
    %mul3A_1 = arith.constant 512 : i32
    %mul3A_2 = arith.muli %add3A, %mul3A_1 : i32
    %mul3A_3 = arith.constant 4 : i32
    %mul3A_4 = arith.muli %add3A, %mul3A_3 : i32
    "tpu.region"() ({
      %run_scoped3A = tpu.sem_alloc : memref<!tpu.dma_semaphore, #tpu.memory_space<semaphore_mem>>
      %dma_start3A_83 = arith.constant 0 : i32
      %dma_start3A_84 = tpu.memref_slice %arg3[%mul3A_4, %dma_start3A_83] : memref<128x128xi32, #tpu.memory_space<hbm>> -> memref<4x128xi32, #tpu.memory_space<hbm>>
      %dma_start3A_85 = arith.constant 0 : i32
      %dma_start3A_86 = tpu.memref_slice %arg3[%mul3A_4, %dma_start3A_85] : memref<128x128xi32, #tpu.memory_space<hbm>> -> memref<4x128xi32, #tpu.memory_space<hbm>>
      tpu.enqueue_dma source(%dma_start3A_86 : memref<4x128xi32, #tpu.memory_space<hbm>>) target(%arg5 : memref<4x128xi32, #tpu.memory_space<vmem>>) target_semaphore(%run_scoped3A : memref<!tpu.dma_semaphore, #tpu.memory_space<semaphore_mem>>)
      %dma_wait3A_87 = arith.constant 0 : i32
      %dma_wait3A_88 = tpu.memref_slice %arg3[%mul3A_4, %dma_wait3A_87] : memref<128x128xi32, #tpu.memory_space<hbm>> -> memref<4x128xi32, #tpu.memory_space<hbm>>
      %dma_wait3A_89 = arith.constant 0 : i32
      %dma_wait3A_90 = tpu.memref_slice %arg3[%mul3A_4, %dma_wait3A_89] : memref<128x128xi32, #tpu.memory_space<hbm>> -> memref<4x128xi32, #tpu.memory_space<hbm>>
      tpu.wait_dma2 semaphore(%run_scoped3A : memref<!tpu.dma_semaphore, #tpu.memory_space<semaphore_mem>>) src(%dma_wait3A_90 : memref<4x128xi32, #tpu.memory_space<hbm>>) dst(%arg5 : memref<4x128xi32, #tpu.memory_space<vmem>>)
      tpu.yield
    }) : () -> ()
    %dma_start3A = arith.constant 0 : i32
    %dma_start3A_5 = arith.constant 0 : i32
    %dma_start3A_6 = arith.constant 0 : i32
    %dma_start3A_7 = tpu.memref_slice %arg6[%dma_start3A_5, %dma_start3A_6] : memref<512x32xf32, #tpu.memory_space<vmem>> -> memref<128x32xf32, #tpu.memory_space<vmem>>
    %dma_start3A_8 = arith.constant 0 : i32
    %dma_start3A_9 = tpu.memref_slice %arg5[%dma_start3A, %dma_start3A_8] : memref<4x128xi32, #tpu.memory_space<vmem>> -> memref<1x128xi32, #tpu.memory_space<vmem>>
    %dma_start3A_10 = tpu.memref_squeeze %dma_start3A_9 : memref<1x128xi32, #tpu.memory_space<vmem>> -> memref<128xi32, #tpu.memory_space<vmem>>
    %dma_start3A_11 = arith.constant 0 : i32
    %dma_start3A_12 = arith.constant 0 : i32
    %dma_start3A_13 = tpu.memref_slice %arg2[%dma_start3A_11, %dma_start3A_12] : memref<8192x32xf32, #tpu.memory_space<hbm>> -> memref<8192x32xf32, #tpu.memory_space<hbm>>
    tpu.enqueue_indirect_dma source(%dma_start3A_13 : memref<8192x32xf32, #tpu.memory_space<hbm>>) target(%dma_start3A_7 : memref<128x32xf32, #tpu.memory_space<vmem>>) offsets(%dma_start3A_10 : memref<128xi32, #tpu.memory_space<vmem>>) semaphore(%arg7 : memref<!tpu.dma_semaphore, #tpu.memory_space<semaphore_mem>>)
    %dma_start3A_14 = arith.constant 1 : i32
    %dma_start3A_15 = arith.constant 128 : i32
    %dma_start3A_16 = arith.constant 0 : i32
    %dma_start3A_17 = tpu.memref_slice %arg6[%dma_start3A_15, %dma_start3A_16] : memref<512x32xf32, #tpu.memory_space<vmem>> -> memref<128x32xf32, #tpu.memory_space<vmem>>
    %dma_start3A_18 = arith.constant 0 : i32
    %dma_start3A_19 = tpu.memref_slice %arg5[%dma_start3A_14, %dma_start3A_18] : memref<4x128xi32, #tpu.memory_space<vmem>> -> memref<1x128xi32, #tpu.memory_space<vmem>>
    %dma_start3A_20 = tpu.memref_squeeze %dma_start3A_19 : memref<1x128xi32, #tpu.memory_space<vmem>> -> memref<128xi32, #tpu.memory_space<vmem>>
    %dma_start3A_21 = arith.constant 0 : i32
    %dma_start3A_22 = arith.constant 0 : i32
    %dma_start3A_23 = tpu.memref_slice %arg2[%dma_start3A_21, %dma_start3A_22] : memref<8192x32xf32, #tpu.memory_space<hbm>> -> memref<8192x32xf32, #tpu.memory_space<hbm>>
    tpu.enqueue_indirect_dma source(%dma_start3A_23 : memref<8192x32xf32, #tpu.memory_space<hbm>>) target(%dma_start3A_17 : memref<128x32xf32, #tpu.memory_space<vmem>>) offsets(%dma_start3A_20 : memref<128xi32, #tpu.memory_space<vmem>>) semaphore(%arg7 : memref<!tpu.dma_semaphore, #tpu.memory_space<semaphore_mem>>)
    %dma_start3A_24 = arith.constant 2 : i32
    %dma_start3A_25 = arith.constant 256 : i32
    %dma_start3A_26 = arith.constant 0 : i32
    %dma_start3A_27 = tpu.memref_slice %arg6[%dma_start3A_25, %dma_start3A_26] : memref<512x32xf32, #tpu.memory_space<vmem>> -> memref<128x32xf32, #tpu.memory_space<vmem>>
    %dma_start3A_28 = arith.constant 0 : i32
    %dma_start3A_29 = tpu.memref_slice %arg5[%dma_start3A_24, %dma_start3A_28] : memref<4x128xi32, #tpu.memory_space<vmem>> -> memref<1x128xi32, #tpu.memory_space<vmem>>
    %dma_start3A_30 = tpu.memref_squeeze %dma_start3A_29 : memref<1x128xi32, #tpu.memory_space<vmem>> -> memref<128xi32, #tpu.memory_space<vmem>>
    %dma_start3A_31 = arith.constant 0 : i32
    %dma_start3A_32 = arith.constant 0 : i32
    %dma_start3A_33 = tpu.memref_slice %arg2[%dma_start3A_31, %dma_start3A_32] : memref<8192x32xf32, #tpu.memory_space<hbm>> -> memref<8192x32xf32, #tpu.memory_space<hbm>>
    tpu.enqueue_indirect_dma source(%dma_start3A_33 : memref<8192x32xf32, #tpu.memory_space<hbm>>) target(%dma_start3A_27 : memref<128x32xf32, #tpu.memory_space<vmem>>) offsets(%dma_start3A_30 : memref<128xi32, #tpu.memory_space<vmem>>) semaphore(%arg7 : memref<!tpu.dma_semaphore, #tpu.memory_space<semaphore_mem>>)
    %dma_start3A_34 = arith.constant 3 : i32
    %dma_start3A_35 = arith.constant 384 : i32
    %dma_start3A_36 = arith.constant 0 : i32
    %dma_start3A_37 = tpu.memref_slice %arg6[%dma_start3A_35, %dma_start3A_36] : memref<512x32xf32, #tpu.memory_space<vmem>> -> memref<128x32xf32, #tpu.memory_space<vmem>>
    %dma_start3A_38 = arith.constant 0 : i32
    %dma_start3A_39 = tpu.memref_slice %arg5[%dma_start3A_34, %dma_start3A_38] : memref<4x128xi32, #tpu.memory_space<vmem>> -> memref<1x128xi32, #tpu.memory_space<vmem>>
    %dma_start3A_40 = tpu.memref_squeeze %dma_start3A_39 : memref<1x128xi32, #tpu.memory_space<vmem>> -> memref<128xi32, #tpu.memory_space<vmem>>
    %dma_start3A_41 = arith.constant 0 : i32
    %dma_start3A_42 = arith.constant 0 : i32
    %dma_start3A_43 = tpu.memref_slice %arg2[%dma_start3A_41, %dma_start3A_42] : memref<8192x32xf32, #tpu.memory_space<hbm>> -> memref<8192x32xf32, #tpu.memory_space<hbm>>
    tpu.enqueue_indirect_dma source(%dma_start3A_43 : memref<8192x32xf32, #tpu.memory_space<hbm>>) target(%dma_start3A_37 : memref<128x32xf32, #tpu.memory_space<vmem>>) offsets(%dma_start3A_40 : memref<128xi32, #tpu.memory_space<vmem>>) semaphore(%arg7 : memref<!tpu.dma_semaphore, #tpu.memory_space<semaphore_mem>>)
    %dma_wait3A = arith.constant 0 : i32
    %dma_wait3A_44 = arith.constant 0 : i32
    %dma_wait3A_45 = arith.constant 0 : i32
    %dma_wait3A_46 = tpu.memref_slice %arg6[%dma_wait3A_44, %dma_wait3A_45] : memref<512x32xf32, #tpu.memory_space<vmem>> -> memref<128x32xf32, #tpu.memory_space<vmem>>
    %dma_wait3A_47 = arith.constant 0 : i32
    %dma_wait3A_48 = tpu.memref_slice %arg5[%dma_wait3A, %dma_wait3A_47] : memref<4x128xi32, #tpu.memory_space<vmem>> -> memref<1x128xi32, #tpu.memory_space<vmem>>
    %dma_wait3A_49 = tpu.memref_squeeze %dma_wait3A_48 : memref<1x128xi32, #tpu.memory_space<vmem>> -> memref<128xi32, #tpu.memory_space<vmem>>
    %dma_wait3A_50 = arith.constant 0 : i32
    %dma_wait3A_51 = arith.constant 0 : i32
    %dma_wait3A_52 = tpu.memref_slice %arg2[%dma_wait3A_50, %dma_wait3A_51] : memref<8192x32xf32, #tpu.memory_space<hbm>> -> memref<8192x32xf32, #tpu.memory_space<hbm>>
    tpu.wait_indirect_dma semaphore(%arg7 : memref<!tpu.dma_semaphore, #tpu.memory_space<semaphore_mem>>) src(%dma_wait3A_52 : memref<8192x32xf32, #tpu.memory_space<hbm>>) dst(%dma_wait3A_46 : memref<128x32xf32, #tpu.memory_space<vmem>>)
    %dma_wait3A_53 = arith.constant 1 : i32
    %dma_wait3A_54 = arith.constant 128 : i32
    %dma_wait3A_55 = arith.constant 0 : i32
    %dma_wait3A_56 = tpu.memref_slice %arg6[%dma_wait3A_54, %dma_wait3A_55] : memref<512x32xf32, #tpu.memory_space<vmem>> -> memref<128x32xf32, #tpu.memory_space<vmem>>
    %dma_wait3A_57 = arith.constant 0 : i32
    %dma_wait3A_58 = tpu.memref_slice %arg5[%dma_wait3A_53, %dma_wait3A_57] : memref<4x128xi32, #tpu.memory_space<vmem>> -> memref<1x128xi32, #tpu.memory_space<vmem>>
    %dma_wait3A_59 = tpu.memref_squeeze %dma_wait3A_58 : memref<1x128xi32, #tpu.memory_space<vmem>> -> memref<128xi32, #tpu.memory_space<vmem>>
    %dma_wait3A_60 = arith.constant 0 : i32
    %dma_wait3A_61 = arith.constant 0 : i32
    %dma_wait3A_62 = tpu.memref_slice %arg2[%dma_wait3A_60, %dma_wait3A_61] : memref<8192x32xf32, #tpu.memory_space<hbm>> -> memref<8192x32xf32, #tpu.memory_space<hbm>>
    tpu.wait_indirect_dma semaphore(%arg7 : memref<!tpu.dma_semaphore, #tpu.memory_space<semaphore_mem>>) src(%dma_wait3A_62 : memref<8192x32xf32, #tpu.memory_space<hbm>>) dst(%dma_wait3A_56 : memref<128x32xf32, #tpu.memory_space<vmem>>)
    %dma_wait3A_63 = arith.constant 2 : i32
    %dma_wait3A_64 = arith.constant 256 : i32
    %dma_wait3A_65 = arith.constant 0 : i32
    %dma_wait3A_66 = tpu.memref_slice %arg6[%dma_wait3A_64, %dma_wait3A_65] : memref<512x32xf32, #tpu.memory_space<vmem>> -> memref<128x32xf32, #tpu.memory_space<vmem>>
    %dma_wait3A_67 = arith.constant 0 : i32
    %dma_wait3A_68 = tpu.memref_slice %arg5[%dma_wait3A_63, %dma_wait3A_67] : memref<4x128xi32, #tpu.memory_space<vmem>> -> memref<1x128xi32, #tpu.memory_space<vmem>>
    %dma_wait3A_69 = tpu.memref_squeeze %dma_wait3A_68 : memref<1x128xi32, #tpu.memory_space<vmem>> -> memref<128xi32, #tpu.memory_space<vmem>>
    %dma_wait3A_70 = arith.constant 0 : i32
    %dma_wait3A_71 = arith.constant 0 : i32
    %dma_wait3A_72 = tpu.memref_slice %arg2[%dma_wait3A_70, %dma_wait3A_71] : memref<8192x32xf32, #tpu.memory_space<hbm>> -> memref<8192x32xf32, #tpu.memory_space<hbm>>
    tpu.wait_indirect_dma semaphore(%arg7 : memref<!tpu.dma_semaphore, #tpu.memory_space<semaphore_mem>>) src(%dma_wait3A_72 : memref<8192x32xf32, #tpu.memory_space<hbm>>) dst(%dma_wait3A_66 : memref<128x32xf32, #tpu.memory_space<vmem>>)
    %dma_wait3A_73 = arith.constant 3 : i32
    %dma_wait3A_74 = arith.constant 384 : i32
    %dma_wait3A_75 = arith.constant 0 : i32
    %dma_wait3A_76 = tpu.memref_slice %arg6[%dma_wait3A_74, %dma_wait3A_75] : memref<512x32xf32, #tpu.memory_space<vmem>> -> memref<128x32xf32, #tpu.memory_space<vmem>>
    %dma_wait3A_77 = arith.constant 0 : i32
    %dma_wait3A_78 = tpu.memref_slice %arg5[%dma_wait3A_73, %dma_wait3A_77] : memref<4x128xi32, #tpu.memory_space<vmem>> -> memref<1x128xi32, #tpu.memory_space<vmem>>
    %dma_wait3A_79 = tpu.memref_squeeze %dma_wait3A_78 : memref<1x128xi32, #tpu.memory_space<vmem>> -> memref<128xi32, #tpu.memory_space<vmem>>
    %dma_wait3A_80 = arith.constant 0 : i32
    %dma_wait3A_81 = arith.constant 0 : i32
    %dma_wait3A_82 = tpu.memref_slice %arg2[%dma_wait3A_80, %dma_wait3A_81] : memref<8192x32xf32, #tpu.memory_space<hbm>> -> memref<8192x32xf32, #tpu.memory_space<hbm>>
    tpu.wait_indirect_dma semaphore(%arg7 : memref<!tpu.dma_semaphore, #tpu.memory_space<semaphore_mem>>) src(%dma_wait3A_82 : memref<8192x32xf32, #tpu.memory_space<hbm>>) dst(%dma_wait3A_76 : memref<128x32xf32, #tpu.memory_space<vmem>>)
    "tpu.region"() ({
      %run_scoped3A = tpu.sem_alloc : memref<!tpu.dma_semaphore, #tpu.memory_space<semaphore_mem>>
      %dma_start3A_83 = arith.constant 0 : i32
      %dma_start3A_84 = tpu.memref_slice %arg4[%mul3A_2, %dma_start3A_83] : memref<16384x32xf32, #tpu.memory_space<hbm>> -> memref<512x32xf32, #tpu.memory_space<hbm>>
      %dma_start3A_85 = arith.constant 0 : i32
      %dma_start3A_86 = tpu.memref_slice %arg4[%mul3A_2, %dma_start3A_85] : memref<16384x32xf32, #tpu.memory_space<hbm>> -> memref<512x32xf32, #tpu.memory_space<hbm>>
      tpu.enqueue_dma source(%arg6 : memref<512x32xf32, #tpu.memory_space<vmem>>) target(%dma_start3A_86 : memref<512x32xf32, #tpu.memory_space<hbm>>) target_semaphore(%run_scoped3A : memref<!tpu.dma_semaphore, #tpu.memory_space<semaphore_mem>>)
      %dma_wait3A_87 = arith.constant 0 : i32
      %dma_wait3A_88 = tpu.memref_slice %arg4[%mul3A_2, %dma_wait3A_87] : memref<16384x32xf32, #tpu.memory_space<hbm>> -> memref<512x32xf32, #tpu.memory_space<hbm>>
      %dma_wait3A_89 = arith.constant 0 : i32
      %dma_wait3A_90 = tpu.memref_slice %arg4[%mul3A_2, %dma_wait3A_89] : memref<16384x32xf32, #tpu.memory_space<hbm>> -> memref<512x32xf32, #tpu.memory_space<hbm>>
      tpu.wait_dma2 semaphore(%run_scoped3A : memref<!tpu.dma_semaphore, #tpu.memory_space<semaphore_mem>>) src(%arg6 : memref<512x32xf32, #tpu.memory_space<vmem>>) dst(%dma_wait3A_90 : memref<512x32xf32, #tpu.memory_space<hbm>>)
      tpu.yield
    }) : () -> ()
    return
  }
}

module attributes {stable_mosaic.version = 14 : i64} {
  func.func @_dist_argmin_body(%arg0: i32, %arg1: memref<1024x1xf32, #tpu.memory_space<vmem>>, %arg2: memref<1x8192xf32, #tpu.memory_space<vmem>>, %arg3: memref<1024x32xf32, #tpu.memory_space<vmem>>, %arg4: memref<8192x32xf32, #tpu.memory_space<vmem>>, %arg5: memref<1x1x1024xi32, #tpu.memory_space<vmem>>) attributes {dimension_semantics = [#tpu.dimension_semantics<arbitrary>], iteration_bounds = array<i64: 16>, scalar_prefetch = 0 : i64, scratch_operands = 0 : i64, tpu.core_type = #tpu.core_type<tc>, window_params = [{transform_indices = @transform_0, window_bounds = array<i64: 1024, 1>}, {pipeline_mode = #tpu.pipeline_mode<synchronous>, transform_indices = @transform_1, window_bounds = array<i64: 1, 8192>}, {transform_indices = @transform_2, window_bounds = array<i64: 1024, 32>}, {pipeline_mode = #tpu.pipeline_mode<synchronous>, transform_indices = @transform_3, window_bounds = array<i64: 8192, 32>}, {transform_indices = @transform_4, window_bounds = array<i64: 1, 1, 1024>}]} {
    %get3A = arith.constant 0 : index
    %get3A_0 = arith.constant 0 : index
    %get3A_1 = vector.load %arg3[%get3A, %get3A_0] : memref<1024x32xf32, #tpu.memory_space<vmem>>, vector<1024x32xf32>
    %get3A_2 = arith.constant 0 : index
    %get3A_3 = arith.constant 0 : index
    %get3A_4 = vector.load %arg4[%get3A_2, %get3A_3] : memref<8192x32xf32, #tpu.memory_space<vmem>>, vector<8192x32xf32>
    %convert_element_type3A = arith.truncf %get3A_1 : vector<1024x32xf32> to vector<1024x32xbf16>
    %convert_element_type3A_5 = arith.truncf %get3A_4 : vector<8192x32xf32> to vector<8192x32xbf16>
    %dot_general3A = arith.constant dense<0.000000e+00> : vector<1024x8192xf32>
    %dot_general3A_6 = tpu.matmul %convert_element_type3A, %convert_element_type3A_5, %dot_general3A {dimension_numbers = #tpu.dot_dimension_numbers<[1], [1], [0], [0], [0, 0, 1, 0], [], []>, transpose_lhs_hint = false} : vector<1024x32xbf16>, vector<8192x32xbf16>, vector<1024x8192xf32> -> vector<1024x8192xf32>
    %get3A_7 = arith.constant 0 : index
    %get3A_8 = arith.constant 0 : index
    %get3A_9 = vector.load %arg1[%get3A_7, %get3A_8] : memref<1024x1xf32, #tpu.memory_space<vmem>>, vector<1024x1xf32>
    %get3A_10 = arith.constant 0 : index
    %get3A_11 = arith.constant 0 : index
    %get3A_12 = vector.load %arg2[%get3A_10, %get3A_11] : memref<1x8192xf32, #tpu.memory_space<vmem>>, vector<1x8192xf32>
    %iota3A = tpu.iota {dimensions = array<i32: 1>} : vector<1024x128xi32>
    %broadcast_in_dim3A = arith.constant 0x7F800000 : f32
    %broadcast_in_dim3A_13 = vector.broadcast %broadcast_in_dim3A : f32 to vector<1024xf32>
    %broadcast_in_dim3A_14 = arith.constant 0 : i32
    %broadcast_in_dim3A_15 = vector.broadcast %broadcast_in_dim3A_14 : i32 to vector<1024xi32>
    %slice3A = vector.extract_strided_slice %get3A_12 {offsets = [0, 0], sizes = [1, 128], strides = [1, 1]} : vector<1x8192xf32> to vector<1x128xf32>
    %add3A = vector.broadcast %get3A_9 : vector<1024x1xf32> to vector<1024x128xf32>
    %add3A_16 = vector.broadcast %slice3A : vector<1x128xf32> to vector<1024x128xf32>
    %add3A_17 = arith.addf %add3A, %add3A_16 : vector<1024x128xf32>
    %slice3A_18 = vector.extract_strided_slice %dot_general3A_6 {offsets = [0, 0], sizes = [1024, 128], strides = [1, 1]} : vector<1024x8192xf32> to vector<1024x128xf32>
    %sub3A = arith.subf %add3A_17, %slice3A_18 : vector<1024x128xf32>
    %broadcast_in_dim3A_19 = arith.constant 0 : i32
    %broadcast_in_dim3A_20 = vector.broadcast %broadcast_in_dim3A_19 : i32 to vector<1024x128xi32>
    %slice3A_21 = vector.extract_strided_slice %get3A_12 {offsets = [0, 128], sizes = [1, 128], strides = [1, 1]} : vector<1x8192xf32> to vector<1x128xf32>
    %add3A_22 = vector.broadcast %get3A_9 : vector<1024x1xf32> to vector<1024x128xf32>
    %add3A_23 = vector.broadcast %slice3A_21 : vector<1x128xf32> to vector<1024x128xf32>
    %add3A_24 = arith.addf %add3A_22, %add3A_23 : vector<1024x128xf32>
    %slice3A_25 = vector.extract_strided_slice %dot_general3A_6 {offsets = [0, 128], sizes = [1024, 128], strides = [1, 1]} : vector<1024x8192xf32> to vector<1024x128xf32>
    %sub3A_26 = arith.subf %add3A_24, %slice3A_25 : vector<1024x128xf32>
    %lt3A = arith.cmpf olt, %sub3A_26, %sub3A : vector<1024x128xf32>
    %select_n3A = arith.select %lt3A, %sub3A_26, %sub3A : vector<1024x128xi1>, vector<1024x128xf32>
    %jit3A = arith.constant 1 : i32
    %broadcast_in_dim3A_27 = vector.broadcast %jit3A : i32 to vector<1024x128xi32>
    %select_n3A_28 = arith.select %lt3A, %broadcast_in_dim3A_27, %broadcast_in_dim3A_20 : vector<1024x128xi1>, vector<1024x128xi32>
    %slice3A_29 = vector.extract_strided_slice %get3A_12 {offsets = [0, 256], sizes = [1, 128], strides = [1, 1]} : vector<1x8192xf32> to vector<1x128xf32>
    %add3A_30 = vector.broadcast %get3A_9 : vector<1024x1xf32> to vector<1024x128xf32>
    %add3A_31 = vector.broadcast %slice3A_29 : vector<1x128xf32> to vector<1024x128xf32>
    %add3A_32 = arith.addf %add3A_30, %add3A_31 : vector<1024x128xf32>
    %slice3A_33 = vector.extract_strided_slice %dot_general3A_6 {offsets = [0, 256], sizes = [1024, 128], strides = [1, 1]} : vector<1024x8192xf32> to vector<1024x128xf32>
    %sub3A_34 = arith.subf %add3A_32, %slice3A_33 : vector<1024x128xf32>
    %lt3A_35 = arith.cmpf olt, %sub3A_34, %select_n3A : vector<1024x128xf32>
    %select_n3A_36 = arith.select %lt3A_35, %sub3A_34, %select_n3A : vector<1024x128xi1>, vector<1024x128xf32>
    %jit3A_37 = arith.constant 2 : i32
    %broadcast_in_dim3A_38 = vector.broadcast %jit3A_37 : i32 to vector<1024x128xi32>
    %select_n3A_39 = arith.select %lt3A_35, %broadcast_in_dim3A_38, %select_n3A_28 : vector<1024x128xi1>, vector<1024x128xi32>
    %slice3A_40 = vector.extract_strided_slice %get3A_12 {offsets = [0, 384], sizes = [1, 128], strides = [1, 1]} : vector<1x8192xf32> to vector<1x128xf32>
    %add3A_41 = vector.broadcast %get3A_9 : vector<1024x1xf32> to vector<1024x128xf32>
    %add3A_42 = vector.broadcast %slice3A_40 : vector<1x128xf32> to vector<1024x128xf32>
    %add3A_43 = arith.addf %add3A_41, %add3A_42 : vector<1024x128xf32>
    %slice3A_44 = vector.extract_strided_slice %dot_general3A_6 {offsets = [0, 384], sizes = [1024, 128], strides = [1, 1]} : vector<1024x8192xf32> to vector<1024x128xf32>
    %sub3A_45 = arith.subf %add3A_43, %slice3A_44 : vector<1024x128xf32>
    %lt3A_46 = arith.cmpf olt, %sub3A_45, %select_n3A_36 : vector<1024x128xf32>
    %select_n3A_47 = arith.select %lt3A_46, %sub3A_45, %select_n3A_36 : vector<1024x128xi1>, vector<1024x128xf32>
    %jit3A_48 = arith.constant 3 : i32
    %broadcast_in_dim3A_49 = vector.broadcast %jit3A_48 : i32 to vector<1024x128xi32>
    %select_n3A_50 = arith.select %lt3A_46, %broadcast_in_dim3A_49, %select_n3A_39 : vector<1024x128xi1>, vector<1024x128xi32>
    %slice3A_51 = vector.extract_strided_slice %get3A_12 {offsets = [0, 512], sizes = [1, 128], strides = [1, 1]} : vector<1x8192xf32> to vector<1x128xf32>
    %add3A_52 = vector.broadcast %get3A_9 : vector<1024x1xf32> to vector<1024x128xf32>
    %add3A_53 = vector.broadcast %slice3A_51 : vector<1x128xf32> to vector<1024x128xf32>
    %add3A_54 = arith.addf %add3A_52, %add3A_53 : vector<1024x128xf32>
    %slice3A_55 = vector.extract_strided_slice %dot_general3A_6 {offsets = [0, 512], sizes = [1024, 128], strides = [1, 1]} : vector<1024x8192xf32> to vector<1024x128xf32>
    %sub3A_56 = arith.subf %add3A_54, %slice3A_55 : vector<1024x128xf32>
    %lt3A_57 = arith.cmpf olt, %sub3A_56, %select_n3A_47 : vector<1024x128xf32>
    %select_n3A_58 = arith.select %lt3A_57, %sub3A_56, %select_n3A_47 : vector<1024x128xi1>, vector<1024x128xf32>
    %jit3A_59 = arith.constant 4 : i32
    %broadcast_in_dim3A_60 = vector.broadcast %jit3A_59 : i32 to vector<1024x128xi32>
    %select_n3A_61 = arith.select %lt3A_57, %broadcast_in_dim3A_60, %select_n3A_50 : vector<1024x128xi1>, vector<1024x128xi32>
    %slice3A_62 = vector.extract_strided_slice %get3A_12 {offsets = [0, 640], sizes = [1, 128], strides = [1, 1]} : vector<1x8192xf32> to vector<1x128xf32>
    %add3A_63 = vector.broadcast %get3A_9 : vector<1024x1xf32> to vector<1024x128xf32>
    %add3A_64 = vector.broadcast %slice3A_62 : vector<1x128xf32> to vector<1024x128xf32>
    %add3A_65 = arith.addf %add3A_63, %add3A_64 : vector<1024x128xf32>
    %slice3A_66 = vector.extract_strided_slice %dot_general3A_6 {offsets = [0, 640], sizes = [1024, 128], strides = [1, 1]} : vector<1024x8192xf32> to vector<1024x128xf32>
    %sub3A_67 = arith.subf %add3A_65, %slice3A_66 : vector<1024x128xf32>
    %lt3A_68 = arith.cmpf olt, %sub3A_67, %select_n3A_58 : vector<1024x128xf32>
    %select_n3A_69 = arith.select %lt3A_68, %sub3A_67, %select_n3A_58 : vector<1024x128xi1>, vector<1024x128xf32>
    %jit3A_70 = arith.constant 5 : i32
    %broadcast_in_dim3A_71 = vector.broadcast %jit3A_70 : i32 to vector<1024x128xi32>
    %select_n3A_72 = arith.select %lt3A_68, %broadcast_in_dim3A_71, %select_n3A_61 : vector<1024x128xi1>, vector<1024x128xi32>
    %slice3A_73 = vector.extract_strided_slice %get3A_12 {offsets = [0, 768], sizes = [1, 128], strides = [1, 1]} : vector<1x8192xf32> to vector<1x128xf32>
    %add3A_74 = vector.broadcast %get3A_9 : vector<1024x1xf32> to vector<1024x128xf32>
    %add3A_75 = vector.broadcast %slice3A_73 : vector<1x128xf32> to vector<1024x128xf32>
    %add3A_76 = arith.addf %add3A_74, %add3A_75 : vector<1024x128xf32>
    %slice3A_77 = vector.extract_strided_slice %dot_general3A_6 {offsets = [0, 768], sizes = [1024, 128], strides = [1, 1]} : vector<1024x8192xf32> to vector<1024x128xf32>
    %sub3A_78 = arith.subf %add3A_76, %slice3A_77 : vector<1024x128xf32>
    %lt3A_79 = arith.cmpf olt, %sub3A_78, %select_n3A_69 : vector<1024x128xf32>
    %select_n3A_80 = arith.select %lt3A_79, %sub3A_78, %select_n3A_69 : vector<1024x128xi1>, vector<1024x128xf32>
    %jit3A_81 = arith.constant 6 : i32
    %broadcast_in_dim3A_82 = vector.broadcast %jit3A_81 : i32 to vector<1024x128xi32>
    %select_n3A_83 = arith.select %lt3A_79, %broadcast_in_dim3A_82, %select_n3A_72 : vector<1024x128xi1>, vector<1024x128xi32>
    %slice3A_84 = vector.extract_strided_slice %get3A_12 {offsets = [0, 896], sizes = [1, 128], strides = [1, 1]} : vector<1x8192xf32> to vector<1x128xf32>
    %add3A_85 = vector.broadcast %get3A_9 : vector<1024x1xf32> to vector<1024x128xf32>
    %add3A_86 = vector.broadcast %slice3A_84 : vector<1x128xf32> to vector<1024x128xf32>
    %add3A_87 = arith.addf %add3A_85, %add3A_86 : vector<1024x128xf32>
    %slice3A_88 = vector.extract_strided_slice %dot_general3A_6 {offsets = [0, 896], sizes = [1024, 128], strides = [1, 1]} : vector<1024x8192xf32> to vector<1024x128xf32>
    %sub3A_89 = arith.subf %add3A_87, %slice3A_88 : vector<1024x128xf32>
    %lt3A_90 = arith.cmpf olt, %sub3A_89, %select_n3A_80 : vector<1024x128xf32>
    %select_n3A_91 = arith.select %lt3A_90, %sub3A_89, %select_n3A_80 : vector<1024x128xi1>, vector<1024x128xf32>
    %jit3A_92 = arith.constant 7 : i32
    %broadcast_in_dim3A_93 = vector.broadcast %jit3A_92 : i32 to vector<1024x128xi32>
    %select_n3A_94 = arith.select %lt3A_90, %broadcast_in_dim3A_93, %select_n3A_83 : vector<1024x128xi1>, vector<1024x128xi32>
    %slice3A_95 = vector.extract_strided_slice %get3A_12 {offsets = [0, 1024], sizes = [1, 128], strides = [1, 1]} : vector<1x8192xf32> to vector<1x128xf32>
    %add3A_96 = vector.broadcast %get3A_9 : vector<1024x1xf32> to vector<1024x128xf32>
    %add3A_97 = vector.broadcast %slice3A_95 : vector<1x128xf32> to vector<1024x128xf32>
    %add3A_98 = arith.addf %add3A_96, %add3A_97 : vector<1024x128xf32>
    %slice3A_99 = vector.extract_strided_slice %dot_general3A_6 {offsets = [0, 1024], sizes = [1024, 128], strides = [1, 1]} : vector<1024x8192xf32> to vector<1024x128xf32>
    %sub3A_100 = arith.subf %add3A_98, %slice3A_99 : vector<1024x128xf32>
    %lt3A_101 = arith.cmpf olt, %sub3A_100, %select_n3A_91 : vector<1024x128xf32>
    %select_n3A_102 = arith.select %lt3A_101, %sub3A_100, %select_n3A_91 : vector<1024x128xi1>, vector<1024x128xf32>
    %jit3A_103 = arith.constant 8 : i32
    %broadcast_in_dim3A_104 = vector.broadcast %jit3A_103 : i32 to vector<1024x128xi32>
    %select_n3A_105 = arith.select %lt3A_101, %broadcast_in_dim3A_104, %select_n3A_94 : vector<1024x128xi1>, vector<1024x128xi32>
    %slice3A_106 = vector.extract_strided_slice %get3A_12 {offsets = [0, 1152], sizes = [1, 128], strides = [1, 1]} : vector<1x8192xf32> to vector<1x128xf32>
    %add3A_107 = vector.broadcast %get3A_9 : vector<1024x1xf32> to vector<1024x128xf32>
    %add3A_108 = vector.broadcast %slice3A_106 : vector<1x128xf32> to vector<1024x128xf32>
    %add3A_109 = arith.addf %add3A_107, %add3A_108 : vector<1024x128xf32>
    %slice3A_110 = vector.extract_strided_slice %dot_general3A_6 {offsets = [0, 1152], sizes = [1024, 128], strides = [1, 1]} : vector<1024x8192xf32> to vector<1024x128xf32>
    %sub3A_111 = arith.subf %add3A_109, %slice3A_110 : vector<1024x128xf32>
    %lt3A_112 = arith.cmpf olt, %sub3A_111, %select_n3A_102 : vector<1024x128xf32>
    %select_n3A_113 = arith.select %lt3A_112, %sub3A_111, %select_n3A_102 : vector<1024x128xi1>, vector<1024x128xf32>
    %jit3A_114 = arith.constant 9 : i32
    %broadcast_in_dim3A_115 = vector.broadcast %jit3A_114 : i32 to vector<1024x128xi32>
    %select_n3A_116 = arith.select %lt3A_112, %broadcast_in_dim3A_115, %select_n3A_105 : vector<1024x128xi1>, vector<1024x128xi32>
    %slice3A_117 = vector.extract_strided_slice %get3A_12 {offsets = [0, 1280], sizes = [1, 128], strides = [1, 1]} : vector<1x8192xf32> to vector<1x128xf32>
    %add3A_118 = vector.broadcast %get3A_9 : vector<1024x1xf32> to vector<1024x128xf32>
    %add3A_119 = vector.broadcast %slice3A_117 : vector<1x128xf32> to vector<1024x128xf32>
    %add3A_120 = arith.addf %add3A_118, %add3A_119 : vector<1024x128xf32>
    %slice3A_121 = vector.extract_strided_slice %dot_general3A_6 {offsets = [0, 1280], sizes = [1024, 128], strides = [1, 1]} : vector<1024x8192xf32> to vector<1024x128xf32>
    %sub3A_122 = arith.subf %add3A_120, %slice3A_121 : vector<1024x128xf32>
    %lt3A_123 = arith.cmpf olt, %sub3A_122, %select_n3A_113 : vector<1024x128xf32>
    %select_n3A_124 = arith.select %lt3A_123, %sub3A_122, %select_n3A_113 : vector<1024x128xi1>, vector<1024x128xf32>
    %jit3A_125 = arith.constant 10 : i32
    %broadcast_in_dim3A_126 = vector.broadcast %jit3A_125 : i32 to vector<1024x128xi32>
    %select_n3A_127 = arith.select %lt3A_123, %broadcast_in_dim3A_126, %select_n3A_116 : vector<1024x128xi1>, vector<1024x128xi32>
    %slice3A_128 = vector.extract_strided_slice %get3A_12 {offsets = [0, 1408], sizes = [1, 128], strides = [1, 1]} : vector<1x8192xf32> to vector<1x128xf32>
    %add3A_129 = vector.broadcast %get3A_9 : vector<1024x1xf32> to vector<1024x128xf32>
    %add3A_130 = vector.broadcast %slice3A_128 : vector<1x128xf32> to vector<1024x128xf32>
    %add3A_131 = arith.addf %add3A_129, %add3A_130 : vector<1024x128xf32>
    %slice3A_132 = vector.extract_strided_slice %dot_general3A_6 {offsets = [0, 1408], sizes = [1024, 128], strides = [1, 1]} : vector<1024x8192xf32> to vector<1024x128xf32>
    %sub3A_133 = arith.subf %add3A_131, %slice3A_132 : vector<1024x128xf32>
    %lt3A_134 = arith.cmpf olt, %sub3A_133, %select_n3A_124 : vector<1024x128xf32>
    %select_n3A_135 = arith.select %lt3A_134, %sub3A_133, %select_n3A_124 : vector<1024x128xi1>, vector<1024x128xf32>
    %jit3A_136 = arith.constant 11 : i32
    %broadcast_in_dim3A_137 = vector.broadcast %jit3A_136 : i32 to vector<1024x128xi32>
    %select_n3A_138 = arith.select %lt3A_134, %broadcast_in_dim3A_137, %select_n3A_127 : vector<1024x128xi1>, vector<1024x128xi32>
    %slice3A_139 = vector.extract_strided_slice %get3A_12 {offsets = [0, 1536], sizes = [1, 128], strides = [1, 1]} : vector<1x8192xf32> to vector<1x128xf32>
    %add3A_140 = vector.broadcast %get3A_9 : vector<1024x1xf32> to vector<1024x128xf32>
    %add3A_141 = vector.broadcast %slice3A_139 : vector<1x128xf32> to vector<1024x128xf32>
    %add3A_142 = arith.addf %add3A_140, %add3A_141 : vector<1024x128xf32>
    %slice3A_143 = vector.extract_strided_slice %dot_general3A_6 {offsets = [0, 1536], sizes = [1024, 128], strides = [1, 1]} : vector<1024x8192xf32> to vector<1024x128xf32>
    %sub3A_144 = arith.subf %add3A_142, %slice3A_143 : vector<1024x128xf32>
    %lt3A_145 = arith.cmpf olt, %sub3A_144, %select_n3A_135 : vector<1024x128xf32>
    %select_n3A_146 = arith.select %lt3A_145, %sub3A_144, %select_n3A_135 : vector<1024x128xi1>, vector<1024x128xf32>
    %jit3A_147 = arith.constant 12 : i32
    %broadcast_in_dim3A_148 = vector.broadcast %jit3A_147 : i32 to vector<1024x128xi32>
    %select_n3A_149 = arith.select %lt3A_145, %broadcast_in_dim3A_148, %select_n3A_138 : vector<1024x128xi1>, vector<1024x128xi32>
    %slice3A_150 = vector.extract_strided_slice %get3A_12 {offsets = [0, 1664], sizes = [1, 128], strides = [1, 1]} : vector<1x8192xf32> to vector<1x128xf32>
    %add3A_151 = vector.broadcast %get3A_9 : vector<1024x1xf32> to vector<1024x128xf32>
    %add3A_152 = vector.broadcast %slice3A_150 : vector<1x128xf32> to vector<1024x128xf32>
    %add3A_153 = arith.addf %add3A_151, %add3A_152 : vector<1024x128xf32>
    %slice3A_154 = vector.extract_strided_slice %dot_general3A_6 {offsets = [0, 1664], sizes = [1024, 128], strides = [1, 1]} : vector<1024x8192xf32> to vector<1024x128xf32>
    %sub3A_155 = arith.subf %add3A_153, %slice3A_154 : vector<1024x128xf32>
    %lt3A_156 = arith.cmpf olt, %sub3A_155, %select_n3A_146 : vector<1024x128xf32>
    %select_n3A_157 = arith.select %lt3A_156, %sub3A_155, %select_n3A_146 : vector<1024x128xi1>, vector<1024x128xf32>
    %jit3A_158 = arith.constant 13 : i32
    %broadcast_in_dim3A_159 = vector.broadcast %jit3A_158 : i32 to vector<1024x128xi32>
    %select_n3A_160 = arith.select %lt3A_156, %broadcast_in_dim3A_159, %select_n3A_149 : vector<1024x128xi1>, vector<1024x128xi32>
    %slice3A_161 = vector.extract_strided_slice %get3A_12 {offsets = [0, 1792], sizes = [1, 128], strides = [1, 1]} : vector<1x8192xf32> to vector<1x128xf32>
    %add3A_162 = vector.broadcast %get3A_9 : vector<1024x1xf32> to vector<1024x128xf32>
    %add3A_163 = vector.broadcast %slice3A_161 : vector<1x128xf32> to vector<1024x128xf32>
    %add3A_164 = arith.addf %add3A_162, %add3A_163 : vector<1024x128xf32>
    %slice3A_165 = vector.extract_strided_slice %dot_general3A_6 {offsets = [0, 1792], sizes = [1024, 128], strides = [1, 1]} : vector<1024x8192xf32> to vector<1024x128xf32>
    %sub3A_166 = arith.subf %add3A_164, %slice3A_165 : vector<1024x128xf32>
    %lt3A_167 = arith.cmpf olt, %sub3A_166, %select_n3A_157 : vector<1024x128xf32>
    %select_n3A_168 = arith.select %lt3A_167, %sub3A_166, %select_n3A_157 : vector<1024x128xi1>, vector<1024x128xf32>
    %jit3A_169 = arith.constant 14 : i32
    %broadcast_in_dim3A_170 = vector.broadcast %jit3A_169 : i32 to vector<1024x128xi32>
    %select_n3A_171 = arith.select %lt3A_167, %broadcast_in_dim3A_170, %select_n3A_160 : vector<1024x128xi1>, vector<1024x128xi32>
    %slice3A_172 = vector.extract_strided_slice %get3A_12 {offsets = [0, 1920], sizes = [1, 128], strides = [1, 1]} : vector<1x8192xf32> to vector<1x128xf32>
    %add3A_173 = vector.broadcast %get3A_9 : vector<1024x1xf32> to vector<1024x128xf32>
    %add3A_174 = vector.broadcast %slice3A_172 : vector<1x128xf32> to vector<1024x128xf32>
    %add3A_175 = arith.addf %add3A_173, %add3A_174 : vector<1024x128xf32>
    %slice3A_176 = vector.extract_strided_slice %dot_general3A_6 {offsets = [0, 1920], sizes = [1024, 128], strides = [1, 1]} : vector<1024x8192xf32> to vector<1024x128xf32>
    %sub3A_177 = arith.subf %add3A_175, %slice3A_176 : vector<1024x128xf32>
    %lt3A_178 = arith.cmpf olt, %sub3A_177, %select_n3A_168 : vector<1024x128xf32>
    %select_n3A_179 = arith.select %lt3A_178, %sub3A_177, %select_n3A_168 : vector<1024x128xi1>, vector<1024x128xf32>
    %jit3A_180 = arith.constant 15 : i32
    %broadcast_in_dim3A_181 = vector.broadcast %jit3A_180 : i32 to vector<1024x128xi32>
    %select_n3A_182 = arith.select %lt3A_178, %broadcast_in_dim3A_181, %select_n3A_171 : vector<1024x128xi1>, vector<1024x128xi32>
    %slice3A_183 = vector.extract_strided_slice %get3A_12 {offsets = [0, 2048], sizes = [1, 128], strides = [1, 1]} : vector<1x8192xf32> to vector<1x128xf32>
    %add3A_184 = vector.broadcast %get3A_9 : vector<1024x1xf32> to vector<1024x128xf32>
    %add3A_185 = vector.broadcast %slice3A_183 : vector<1x128xf32> to vector<1024x128xf32>
    %add3A_186 = arith.addf %add3A_184, %add3A_185 : vector<1024x128xf32>
    %slice3A_187 = vector.extract_strided_slice %dot_general3A_6 {offsets = [0, 2048], sizes = [1024, 128], strides = [1, 1]} : vector<1024x8192xf32> to vector<1024x128xf32>
    %sub3A_188 = arith.subf %add3A_186, %slice3A_187 : vector<1024x128xf32>
    %lt3A_189 = arith.cmpf olt, %sub3A_188, %select_n3A_179 : vector<1024x128xf32>
    %select_n3A_190 = arith.select %lt3A_189, %sub3A_188, %select_n3A_179 : vector<1024x128xi1>, vector<1024x128xf32>
    %jit3A_191 = arith.constant 16 : i32
    %broadcast_in_dim3A_192 = vector.broadcast %jit3A_191 : i32 to vector<1024x128xi32>
    %select_n3A_193 = arith.select %lt3A_189, %broadcast_in_dim3A_192, %select_n3A_182 : vector<1024x128xi1>, vector<1024x128xi32>
    %slice3A_194 = vector.extract_strided_slice %get3A_12 {offsets = [0, 2176], sizes = [1, 128], strides = [1, 1]} : vector<1x8192xf32> to vector<1x128xf32>
    %add3A_195 = vector.broadcast %get3A_9 : vector<1024x1xf32> to vector<1024x128xf32>
    %add3A_196 = vector.broadcast %slice3A_194 : vector<1x128xf32> to vector<1024x128xf32>
    %add3A_197 = arith.addf %add3A_195, %add3A_196 : vector<1024x128xf32>
    %slice3A_198 = vector.extract_strided_slice %dot_general3A_6 {offsets = [0, 2176], sizes = [1024, 128], strides = [1, 1]} : vector<1024x8192xf32> to vector<1024x128xf32>
    %sub3A_199 = arith.subf %add3A_197, %slice3A_198 : vector<1024x128xf32>
    %lt3A_200 = arith.cmpf olt, %sub3A_199, %select_n3A_190 : vector<1024x128xf32>
    %select_n3A_201 = arith.select %lt3A_200, %sub3A_199, %select_n3A_190 : vector<1024x128xi1>, vector<1024x128xf32>
    %jit3A_202 = arith.constant 17 : i32
    %broadcast_in_dim3A_203 = vector.broadcast %jit3A_202 : i32 to vector<1024x128xi32>
    %select_n3A_204 = arith.select %lt3A_200, %broadcast_in_dim3A_203, %select_n3A_193 : vector<1024x128xi1>, vector<1024x128xi32>
    %slice3A_205 = vector.extract_strided_slice %get3A_12 {offsets = [0, 2304], sizes = [1, 128], strides = [1, 1]} : vector<1x8192xf32> to vector<1x128xf32>
    %add3A_206 = vector.broadcast %get3A_9 : vector<1024x1xf32> to vector<1024x128xf32>
    %add3A_207 = vector.broadcast %slice3A_205 : vector<1x128xf32> to vector<1024x128xf32>
    %add3A_208 = arith.addf %add3A_206, %add3A_207 : vector<1024x128xf32>
    %slice3A_209 = vector.extract_strided_slice %dot_general3A_6 {offsets = [0, 2304], sizes = [1024, 128], strides = [1, 1]} : vector<1024x8192xf32> to vector<1024x128xf32>
    %sub3A_210 = arith.subf %add3A_208, %slice3A_209 : vector<1024x128xf32>
    %lt3A_211 = arith.cmpf olt, %sub3A_210, %select_n3A_201 : vector<1024x128xf32>
    %select_n3A_212 = arith.select %lt3A_211, %sub3A_210, %select_n3A_201 : vector<1024x128xi1>, vector<1024x128xf32>
    %jit3A_213 = arith.constant 18 : i32
    %broadcast_in_dim3A_214 = vector.broadcast %jit3A_213 : i32 to vector<1024x128xi32>
    %select_n3A_215 = arith.select %lt3A_211, %broadcast_in_dim3A_214, %select_n3A_204 : vector<1024x128xi1>, vector<1024x128xi32>
    %slice3A_216 = vector.extract_strided_slice %get3A_12 {offsets = [0, 2432], sizes = [1, 128], strides = [1, 1]} : vector<1x8192xf32> to vector<1x128xf32>
    %add3A_217 = vector.broadcast %get3A_9 : vector<1024x1xf32> to vector<1024x128xf32>
    %add3A_218 = vector.broadcast %slice3A_216 : vector<1x128xf32> to vector<1024x128xf32>
    %add3A_219 = arith.addf %add3A_217, %add3A_218 : vector<1024x128xf32>
    %slice3A_220 = vector.extract_strided_slice %dot_general3A_6 {offsets = [0, 2432], sizes = [1024, 128], strides = [1, 1]} : vector<1024x8192xf32> to vector<1024x128xf32>
    %sub3A_221 = arith.subf %add3A_219, %slice3A_220 : vector<1024x128xf32>
    %lt3A_222 = arith.cmpf olt, %sub3A_221, %select_n3A_212 : vector<1024x128xf32>
    %select_n3A_223 = arith.select %lt3A_222, %sub3A_221, %select_n3A_212 : vector<1024x128xi1>, vector<1024x128xf32>
    %jit3A_224 = arith.constant 19 : i32
    %broadcast_in_dim3A_225 = vector.broadcast %jit3A_224 : i32 to vector<1024x128xi32>
    %select_n3A_226 = arith.select %lt3A_222, %broadcast_in_dim3A_225, %select_n3A_215 : vector<1024x128xi1>, vector<1024x128xi32>
    %slice3A_227 = vector.extract_strided_slice %get3A_12 {offsets = [0, 2560], sizes = [1, 128], strides = [1, 1]} : vector<1x8192xf32> to vector<1x128xf32>
    %add3A_228 = vector.broadcast %get3A_9 : vector<1024x1xf32> to vector<1024x128xf32>
    %add3A_229 = vector.broadcast %slice3A_227 : vector<1x128xf32> to vector<1024x128xf32>
    %add3A_230 = arith.addf %add3A_228, %add3A_229 : vector<1024x128xf32>
    %slice3A_231 = vector.extract_strided_slice %dot_general3A_6 {offsets = [0, 2560], sizes = [1024, 128], strides = [1, 1]} : vector<1024x8192xf32> to vector<1024x128xf32>
    %sub3A_232 = arith.subf %add3A_230, %slice3A_231 : vector<1024x128xf32>
    %lt3A_233 = arith.cmpf olt, %sub3A_232, %select_n3A_223 : vector<1024x128xf32>
    %select_n3A_234 = arith.select %lt3A_233, %sub3A_232, %select_n3A_223 : vector<1024x128xi1>, vector<1024x128xf32>
    %jit3A_235 = arith.constant 20 : i32
    %broadcast_in_dim3A_236 = vector.broadcast %jit3A_235 : i32 to vector<1024x128xi32>
    %select_n3A_237 = arith.select %lt3A_233, %broadcast_in_dim3A_236, %select_n3A_226 : vector<1024x128xi1>, vector<1024x128xi32>
    %slice3A_238 = vector.extract_strided_slice %get3A_12 {offsets = [0, 2688], sizes = [1, 128], strides = [1, 1]} : vector<1x8192xf32> to vector<1x128xf32>
    %add3A_239 = vector.broadcast %get3A_9 : vector<1024x1xf32> to vector<1024x128xf32>
    %add3A_240 = vector.broadcast %slice3A_238 : vector<1x128xf32> to vector<1024x128xf32>
    %add3A_241 = arith.addf %add3A_239, %add3A_240 : vector<1024x128xf32>
    %slice3A_242 = vector.extract_strided_slice %dot_general3A_6 {offsets = [0, 2688], sizes = [1024, 128], strides = [1, 1]} : vector<1024x8192xf32> to vector<1024x128xf32>
    %sub3A_243 = arith.subf %add3A_241, %slice3A_242 : vector<1024x128xf32>
    %lt3A_244 = arith.cmpf olt, %sub3A_243, %select_n3A_234 : vector<1024x128xf32>
    %select_n3A_245 = arith.select %lt3A_244, %sub3A_243, %select_n3A_234 : vector<1024x128xi1>, vector<1024x128xf32>
    %jit3A_246 = arith.constant 21 : i32
    %broadcast_in_dim3A_247 = vector.broadcast %jit3A_246 : i32 to vector<1024x128xi32>
    %select_n3A_248 = arith.select %lt3A_244, %broadcast_in_dim3A_247, %select_n3A_237 : vector<1024x128xi1>, vector<1024x128xi32>
    %slice3A_249 = vector.extract_strided_slice %get3A_12 {offsets = [0, 2816], sizes = [1, 128], strides = [1, 1]} : vector<1x8192xf32> to vector<1x128xf32>
    %add3A_250 = vector.broadcast %get3A_9 : vector<1024x1xf32> to vector<1024x128xf32>
    %add3A_251 = vector.broadcast %slice3A_249 : vector<1x128xf32> to vector<1024x128xf32>
    %add3A_252 = arith.addf %add3A_250, %add3A_251 : vector<1024x128xf32>
    %slice3A_253 = vector.extract_strided_slice %dot_general3A_6 {offsets = [0, 2816], sizes = [1024, 128], strides = [1, 1]} : vector<1024x8192xf32> to vector<1024x128xf32>
    %sub3A_254 = arith.subf %add3A_252, %slice3A_253 : vector<1024x128xf32>
    %lt3A_255 = arith.cmpf olt, %sub3A_254, %select_n3A_245 : vector<1024x128xf32>
    %select_n3A_256 = arith.select %lt3A_255, %sub3A_254, %select_n3A_245 : vector<1024x128xi1>, vector<1024x128xf32>
    %jit3A_257 = arith.constant 22 : i32
    %broadcast_in_dim3A_258 = vector.broadcast %jit3A_257 : i32 to vector<1024x128xi32>
    %select_n3A_259 = arith.select %lt3A_255, %broadcast_in_dim3A_258, %select_n3A_248 : vector<1024x128xi1>, vector<1024x128xi32>
    %slice3A_260 = vector.extract_strided_slice %get3A_12 {offsets = [0, 2944], sizes = [1, 128], strides = [1, 1]} : vector<1x8192xf32> to vector<1x128xf32>
    %add3A_261 = vector.broadcast %get3A_9 : vector<1024x1xf32> to vector<1024x128xf32>
    %add3A_262 = vector.broadcast %slice3A_260 : vector<1x128xf32> to vector<1024x128xf32>
    %add3A_263 = arith.addf %add3A_261, %add3A_262 : vector<1024x128xf32>
    %slice3A_264 = vector.extract_strided_slice %dot_general3A_6 {offsets = [0, 2944], sizes = [1024, 128], strides = [1, 1]} : vector<1024x8192xf32> to vector<1024x128xf32>
    %sub3A_265 = arith.subf %add3A_263, %slice3A_264 : vector<1024x128xf32>
    %lt3A_266 = arith.cmpf olt, %sub3A_265, %select_n3A_256 : vector<1024x128xf32>
    %select_n3A_267 = arith.select %lt3A_266, %sub3A_265, %select_n3A_256 : vector<1024x128xi1>, vector<1024x128xf32>
    %jit3A_268 = arith.constant 23 : i32
    %broadcast_in_dim3A_269 = vector.broadcast %jit3A_268 : i32 to vector<1024x128xi32>
    %select_n3A_270 = arith.select %lt3A_266, %broadcast_in_dim3A_269, %select_n3A_259 : vector<1024x128xi1>, vector<1024x128xi32>
    %slice3A_271 = vector.extract_strided_slice %get3A_12 {offsets = [0, 3072], sizes = [1, 128], strides = [1, 1]} : vector<1x8192xf32> to vector<1x128xf32>
    %add3A_272 = vector.broadcast %get3A_9 : vector<1024x1xf32> to vector<1024x128xf32>
    %add3A_273 = vector.broadcast %slice3A_271 : vector<1x128xf32> to vector<1024x128xf32>
    %add3A_274 = arith.addf %add3A_272, %add3A_273 : vector<1024x128xf32>
    %slice3A_275 = vector.extract_strided_slice %dot_general3A_6 {offsets = [0, 3072], sizes = [1024, 128], strides = [1, 1]} : vector<1024x8192xf32> to vector<1024x128xf32>
    %sub3A_276 = arith.subf %add3A_274, %slice3A_275 : vector<1024x128xf32>
    %lt3A_277 = arith.cmpf olt, %sub3A_276, %select_n3A_267 : vector<1024x128xf32>
    %select_n3A_278 = arith.select %lt3A_277, %sub3A_276, %select_n3A_267 : vector<1024x128xi1>, vector<1024x128xf32>
    %jit3A_279 = arith.constant 24 : i32
    %broadcast_in_dim3A_280 = vector.broadcast %jit3A_279 : i32 to vector<1024x128xi32>
    %select_n3A_281 = arith.select %lt3A_277, %broadcast_in_dim3A_280, %select_n3A_270 : vector<1024x128xi1>, vector<1024x128xi32>
    %slice3A_282 = vector.extract_strided_slice %get3A_12 {offsets = [0, 3200], sizes = [1, 128], strides = [1, 1]} : vector<1x8192xf32> to vector<1x128xf32>
    %add3A_283 = vector.broadcast %get3A_9 : vector<1024x1xf32> to vector<1024x128xf32>
    %add3A_284 = vector.broadcast %slice3A_282 : vector<1x128xf32> to vector<1024x128xf32>
    %add3A_285 = arith.addf %add3A_283, %add3A_284 : vector<1024x128xf32>
    %slice3A_286 = vector.extract_strided_slice %dot_general3A_6 {offsets = [0, 3200], sizes = [1024, 128], strides = [1, 1]} : vector<1024x8192xf32> to vector<1024x128xf32>
    %sub3A_287 = arith.subf %add3A_285, %slice3A_286 : vector<1024x128xf32>
    %lt3A_288 = arith.cmpf olt, %sub3A_287, %select_n3A_278 : vector<1024x128xf32>
    %select_n3A_289 = arith.select %lt3A_288, %sub3A_287, %select_n3A_278 : vector<1024x128xi1>, vector<1024x128xf32>
    %jit3A_290 = arith.constant 25 : i32
    %broadcast_in_dim3A_291 = vector.broadcast %jit3A_290 : i32 to vector<1024x128xi32>
    %select_n3A_292 = arith.select %lt3A_288, %broadcast_in_dim3A_291, %select_n3A_281 : vector<1024x128xi1>, vector<1024x128xi32>
    %slice3A_293 = vector.extract_strided_slice %get3A_12 {offsets = [0, 3328], sizes = [1, 128], strides = [1, 1]} : vector<1x8192xf32> to vector<1x128xf32>
    %add3A_294 = vector.broadcast %get3A_9 : vector<1024x1xf32> to vector<1024x128xf32>
    %add3A_295 = vector.broadcast %slice3A_293 : vector<1x128xf32> to vector<1024x128xf32>
    %add3A_296 = arith.addf %add3A_294, %add3A_295 : vector<1024x128xf32>
    %slice3A_297 = vector.extract_strided_slice %dot_general3A_6 {offsets = [0, 3328], sizes = [1024, 128], strides = [1, 1]} : vector<1024x8192xf32> to vector<1024x128xf32>
    %sub3A_298 = arith.subf %add3A_296, %slice3A_297 : vector<1024x128xf32>
    %lt3A_299 = arith.cmpf olt, %sub3A_298, %select_n3A_289 : vector<1024x128xf32>
    %select_n3A_300 = arith.select %lt3A_299, %sub3A_298, %select_n3A_289 : vector<1024x128xi1>, vector<1024x128xf32>
    %jit3A_301 = arith.constant 26 : i32
    %broadcast_in_dim3A_302 = vector.broadcast %jit3A_301 : i32 to vector<1024x128xi32>
    %select_n3A_303 = arith.select %lt3A_299, %broadcast_in_dim3A_302, %select_n3A_292 : vector<1024x128xi1>, vector<1024x128xi32>
    %slice3A_304 = vector.extract_strided_slice %get3A_12 {offsets = [0, 3456], sizes = [1, 128], strides = [1, 1]} : vector<1x8192xf32> to vector<1x128xf32>
    %add3A_305 = vector.broadcast %get3A_9 : vector<1024x1xf32> to vector<1024x128xf32>
    %add3A_306 = vector.broadcast %slice3A_304 : vector<1x128xf32> to vector<1024x128xf32>
    %add3A_307 = arith.addf %add3A_305, %add3A_306 : vector<1024x128xf32>
    %slice3A_308 = vector.extract_strided_slice %dot_general3A_6 {offsets = [0, 3456], sizes = [1024, 128], strides = [1, 1]} : vector<1024x8192xf32> to vector<1024x128xf32>
    %sub3A_309 = arith.subf %add3A_307, %slice3A_308 : vector<1024x128xf32>
    %lt3A_310 = arith.cmpf olt, %sub3A_309, %select_n3A_300 : vector<1024x128xf32>
    %select_n3A_311 = arith.select %lt3A_310, %sub3A_309, %select_n3A_300 : vector<1024x128xi1>, vector<1024x128xf32>
    %jit3A_312 = arith.constant 27 : i32
    %broadcast_in_dim3A_313 = vector.broadcast %jit3A_312 : i32 to vector<1024x128xi32>
    %select_n3A_314 = arith.select %lt3A_310, %broadcast_in_dim3A_313, %select_n3A_303 : vector<1024x128xi1>, vector<1024x128xi32>
    %slice3A_315 = vector.extract_strided_slice %get3A_12 {offsets = [0, 3584], sizes = [1, 128], strides = [1, 1]} : vector<1x8192xf32> to vector<1x128xf32>
    %add3A_316 = vector.broadcast %get3A_9 : vector<1024x1xf32> to vector<1024x128xf32>
    %add3A_317 = vector.broadcast %slice3A_315 : vector<1x128xf32> to vector<1024x128xf32>
    %add3A_318 = arith.addf %add3A_316, %add3A_317 : vector<1024x128xf32>
    %slice3A_319 = vector.extract_strided_slice %dot_general3A_6 {offsets = [0, 3584], sizes = [1024, 128], strides = [1, 1]} : vector<1024x8192xf32> to vector<1024x128xf32>
    %sub3A_320 = arith.subf %add3A_318, %slice3A_319 : vector<1024x128xf32>
    %lt3A_321 = arith.cmpf olt, %sub3A_320, %select_n3A_311 : vector<1024x128xf32>
    %select_n3A_322 = arith.select %lt3A_321, %sub3A_320, %select_n3A_311 : vector<1024x128xi1>, vector<1024x128xf32>
    %jit3A_323 = arith.constant 28 : i32
    %broadcast_in_dim3A_324 = vector.broadcast %jit3A_323 : i32 to vector<1024x128xi32>
    %select_n3A_325 = arith.select %lt3A_321, %broadcast_in_dim3A_324, %select_n3A_314 : vector<1024x128xi1>, vector<1024x128xi32>
    %slice3A_326 = vector.extract_strided_slice %get3A_12 {offsets = [0, 3712], sizes = [1, 128], strides = [1, 1]} : vector<1x8192xf32> to vector<1x128xf32>
    %add3A_327 = vector.broadcast %get3A_9 : vector<1024x1xf32> to vector<1024x128xf32>
    %add3A_328 = vector.broadcast %slice3A_326 : vector<1x128xf32> to vector<1024x128xf32>
    %add3A_329 = arith.addf %add3A_327, %add3A_328 : vector<1024x128xf32>
    %slice3A_330 = vector.extract_strided_slice %dot_general3A_6 {offsets = [0, 3712], sizes = [1024, 128], strides = [1, 1]} : vector<1024x8192xf32> to vector<1024x128xf32>
    %sub3A_331 = arith.subf %add3A_329, %slice3A_330 : vector<1024x128xf32>
    %lt3A_332 = arith.cmpf olt, %sub3A_331, %select_n3A_322 : vector<1024x128xf32>
    %select_n3A_333 = arith.select %lt3A_332, %sub3A_331, %select_n3A_322 : vector<1024x128xi1>, vector<1024x128xf32>
    %jit3A_334 = arith.constant 29 : i32
    %broadcast_in_dim3A_335 = vector.broadcast %jit3A_334 : i32 to vector<1024x128xi32>
    %select_n3A_336 = arith.select %lt3A_332, %broadcast_in_dim3A_335, %select_n3A_325 : vector<1024x128xi1>, vector<1024x128xi32>
    %slice3A_337 = vector.extract_strided_slice %get3A_12 {offsets = [0, 3840], sizes = [1, 128], strides = [1, 1]} : vector<1x8192xf32> to vector<1x128xf32>
    %add3A_338 = vector.broadcast %get3A_9 : vector<1024x1xf32> to vector<1024x128xf32>
    %add3A_339 = vector.broadcast %slice3A_337 : vector<1x128xf32> to vector<1024x128xf32>
    %add3A_340 = arith.addf %add3A_338, %add3A_339 : vector<1024x128xf32>
    %slice3A_341 = vector.extract_strided_slice %dot_general3A_6 {offsets = [0, 3840], sizes = [1024, 128], strides = [1, 1]} : vector<1024x8192xf32> to vector<1024x128xf32>
    %sub3A_342 = arith.subf %add3A_340, %slice3A_341 : vector<1024x128xf32>
    %lt3A_343 = arith.cmpf olt, %sub3A_342, %select_n3A_333 : vector<1024x128xf32>
    %select_n3A_344 = arith.select %lt3A_343, %sub3A_342, %select_n3A_333 : vector<1024x128xi1>, vector<1024x128xf32>
    %jit3A_345 = arith.constant 30 : i32
    %broadcast_in_dim3A_346 = vector.broadcast %jit3A_345 : i32 to vector<1024x128xi32>
    %select_n3A_347 = arith.select %lt3A_343, %broadcast_in_dim3A_346, %select_n3A_336 : vector<1024x128xi1>, vector<1024x128xi32>
    %slice3A_348 = vector.extract_strided_slice %get3A_12 {offsets = [0, 3968], sizes = [1, 128], strides = [1, 1]} : vector<1x8192xf32> to vector<1x128xf32>
    %add3A_349 = vector.broadcast %get3A_9 : vector<1024x1xf32> to vector<1024x128xf32>
    %add3A_350 = vector.broadcast %slice3A_348 : vector<1x128xf32> to vector<1024x128xf32>
    %add3A_351 = arith.addf %add3A_349, %add3A_350 : vector<1024x128xf32>
    %slice3A_352 = vector.extract_strided_slice %dot_general3A_6 {offsets = [0, 3968], sizes = [1024, 128], strides = [1, 1]} : vector<1024x8192xf32> to vector<1024x128xf32>
    %sub3A_353 = arith.subf %add3A_351, %slice3A_352 : vector<1024x128xf32>
    %lt3A_354 = arith.cmpf olt, %sub3A_353, %select_n3A_344 : vector<1024x128xf32>
    %select_n3A_355 = arith.select %lt3A_354, %sub3A_353, %select_n3A_344 : vector<1024x128xi1>, vector<1024x128xf32>
    %jit3A_356 = arith.constant 31 : i32
    %broadcast_in_dim3A_357 = vector.broadcast %jit3A_356 : i32 to vector<1024x128xi32>
    %select_n3A_358 = arith.select %lt3A_354, %broadcast_in_dim3A_357, %select_n3A_347 : vector<1024x128xi1>, vector<1024x128xi32>
    %reduce_min3A = arith.constant dense<0x7F800000> : vector<1024xf32>
    %reduce_min3A_359 = vector.multi_reduction <minimumf>, %select_n3A_355, %reduce_min3A [1] : vector<1024x128xf32> to vector<1024xf32>
    %mul3A = arith.constant 128 : i32
    %mul3A_360 = vector.broadcast %mul3A : i32 to vector<1024x128xi32>
    %mul3A_361 = arith.muli %select_n3A_358, %mul3A_360 : vector<1024x128xi32>
    %add3A_362 = arith.addi %mul3A_361, %iota3A : vector<1024x128xi32>
    %broadcast_in_dim3A_363 = vector.shape_cast %reduce_min3A_359 : vector<1024xf32> to vector<1024x1xf32>
    %eq3A = vector.broadcast %broadcast_in_dim3A_363 : vector<1024x1xf32> to vector<1024x128xf32>
    %eq3A_364 = arith.cmpf oeq, %select_n3A_355, %eq3A : vector<1024x128xf32>
    %jit3A_365 = arith.constant 8192 : i32
    %broadcast_in_dim3A_366 = vector.broadcast %jit3A_365 : i32 to vector<1024x128xi32>
    %select_n3A_367 = arith.select %eq3A_364, %add3A_362, %broadcast_in_dim3A_366 : vector<1024x128xi1>, vector<1024x128xi32>
    %reduce_min3A_368 = arith.constant dense<2147483647> : vector<1024xi32>
    %reduce_min3A_369 = vector.multi_reduction <minsi>, %select_n3A_367, %reduce_min3A_368 [1] : vector<1024x128xi32> to vector<1024xi32>
    %lt3A_370 = arith.cmpf olt, %reduce_min3A_359, %broadcast_in_dim3A_13 : vector<1024xf32>
    %convert_element_type3A_371 = arith.truncf %reduce_min3A_359 : vector<1024xf32> to vector<1024xbf16>
    %convert_element_type3A_372 = arith.extf %convert_element_type3A_371 : vector<1024xbf16> to vector<1024xf32>
    %select_n3A_373 = arith.select %lt3A_370, %convert_element_type3A_372, %broadcast_in_dim3A_13 : vector<1024xi1>, vector<1024xf32>
    %add3A_374 = arith.constant 0 : i32
    %add3A_375 = vector.broadcast %add3A_374 : i32 to vector<1024xi32>
    %add3A_376 = arith.addi %reduce_min3A_369, %add3A_375 : vector<1024xi32>
    %select_n3A_377 = arith.select %lt3A_370, %add3A_376, %broadcast_in_dim3A_15 : vector<1024xi1>, vector<1024xi32>
    %slice3A_378 = vector.extract_strided_slice %get3A_12 {offsets = [0, 4096], sizes = [1, 128], strides = [1, 1]} : vector<1x8192xf32> to vector<1x128xf32>
    %add3A_379 = vector.broadcast %get3A_9 : vector<1024x1xf32> to vector<1024x128xf32>
    %add3A_380 = vector.broadcast %slice3A_378 : vector<1x128xf32> to vector<1024x128xf32>
    %add3A_381 = arith.addf %add3A_379, %add3A_380 : vector<1024x128xf32>
    %slice3A_382 = vector.extract_strided_slice %dot_general3A_6 {offsets = [0, 4096], sizes = [1024, 128], strides = [1, 1]} : vector<1024x8192xf32> to vector<1024x128xf32>
    %sub3A_383 = arith.subf %add3A_381, %slice3A_382 : vector<1024x128xf32>
    %broadcast_in_dim3A_384 = arith.constant 0 : i32
    %broadcast_in_dim3A_385 = vector.broadcast %broadcast_in_dim3A_384 : i32 to vector<1024x128xi32>
    %slice3A_386 = vector.extract_strided_slice %get3A_12 {offsets = [0, 4224], sizes = [1, 128], strides = [1, 1]} : vector<1x8192xf32> to vector<1x128xf32>
    %add3A_387 = vector.broadcast %get3A_9 : vector<1024x1xf32> to vector<1024x128xf32>
    %add3A_388 = vector.broadcast %slice3A_386 : vector<1x128xf32> to vector<1024x128xf32>
    %add3A_389 = arith.addf %add3A_387, %add3A_388 : vector<1024x128xf32>
    %slice3A_390 = vector.extract_strided_slice %dot_general3A_6 {offsets = [0, 4224], sizes = [1024, 128], strides = [1, 1]} : vector<1024x8192xf32> to vector<1024x128xf32>
    %sub3A_391 = arith.subf %add3A_389, %slice3A_390 : vector<1024x128xf32>
    %lt3A_392 = arith.cmpf olt, %sub3A_391, %sub3A_383 : vector<1024x128xf32>
    %select_n3A_393 = arith.select %lt3A_392, %sub3A_391, %sub3A_383 : vector<1024x128xi1>, vector<1024x128xf32>
    %jit3A_394 = arith.constant 1 : i32
    %broadcast_in_dim3A_395 = vector.broadcast %jit3A_394 : i32 to vector<1024x128xi32>
    %select_n3A_396 = arith.select %lt3A_392, %broadcast_in_dim3A_395, %broadcast_in_dim3A_385 : vector<1024x128xi1>, vector<1024x128xi32>
    %slice3A_397 = vector.extract_strided_slice %get3A_12 {offsets = [0, 4352], sizes = [1, 128], strides = [1, 1]} : vector<1x8192xf32> to vector<1x128xf32>
    %add3A_398 = vector.broadcast %get3A_9 : vector<1024x1xf32> to vector<1024x128xf32>
    %add3A_399 = vector.broadcast %slice3A_397 : vector<1x128xf32> to vector<1024x128xf32>
    %add3A_400 = arith.addf %add3A_398, %add3A_399 : vector<1024x128xf32>
    %slice3A_401 = vector.extract_strided_slice %dot_general3A_6 {offsets = [0, 4352], sizes = [1024, 128], strides = [1, 1]} : vector<1024x8192xf32> to vector<1024x128xf32>
    %sub3A_402 = arith.subf %add3A_400, %slice3A_401 : vector<1024x128xf32>
    %lt3A_403 = arith.cmpf olt, %sub3A_402, %select_n3A_393 : vector<1024x128xf32>
    %select_n3A_404 = arith.select %lt3A_403, %sub3A_402, %select_n3A_393 : vector<1024x128xi1>, vector<1024x128xf32>
    %jit3A_405 = arith.constant 2 : i32
    %broadcast_in_dim3A_406 = vector.broadcast %jit3A_405 : i32 to vector<1024x128xi32>
    %select_n3A_407 = arith.select %lt3A_403, %broadcast_in_dim3A_406, %select_n3A_396 : vector<1024x128xi1>, vector<1024x128xi32>
    %slice3A_408 = vector.extract_strided_slice %get3A_12 {offsets = [0, 4480], sizes = [1, 128], strides = [1, 1]} : vector<1x8192xf32> to vector<1x128xf32>
    %add3A_409 = vector.broadcast %get3A_9 : vector<1024x1xf32> to vector<1024x128xf32>
    %add3A_410 = vector.broadcast %slice3A_408 : vector<1x128xf32> to vector<1024x128xf32>
    %add3A_411 = arith.addf %add3A_409, %add3A_410 : vector<1024x128xf32>
    %slice3A_412 = vector.extract_strided_slice %dot_general3A_6 {offsets = [0, 4480], sizes = [1024, 128], strides = [1, 1]} : vector<1024x8192xf32> to vector<1024x128xf32>
    %sub3A_413 = arith.subf %add3A_411, %slice3A_412 : vector<1024x128xf32>
    %lt3A_414 = arith.cmpf olt, %sub3A_413, %select_n3A_404 : vector<1024x128xf32>
    %select_n3A_415 = arith.select %lt3A_414, %sub3A_413, %select_n3A_404 : vector<1024x128xi1>, vector<1024x128xf32>
    %jit3A_416 = arith.constant 3 : i32
    %broadcast_in_dim3A_417 = vector.broadcast %jit3A_416 : i32 to vector<1024x128xi32>
    %select_n3A_418 = arith.select %lt3A_414, %broadcast_in_dim3A_417, %select_n3A_407 : vector<1024x128xi1>, vector<1024x128xi32>
    %slice3A_419 = vector.extract_strided_slice %get3A_12 {offsets = [0, 4608], sizes = [1, 128], strides = [1, 1]} : vector<1x8192xf32> to vector<1x128xf32>
    %add3A_420 = vector.broadcast %get3A_9 : vector<1024x1xf32> to vector<1024x128xf32>
    %add3A_421 = vector.broadcast %slice3A_419 : vector<1x128xf32> to vector<1024x128xf32>
    %add3A_422 = arith.addf %add3A_420, %add3A_421 : vector<1024x128xf32>
    %slice3A_423 = vector.extract_strided_slice %dot_general3A_6 {offsets = [0, 4608], sizes = [1024, 128], strides = [1, 1]} : vector<1024x8192xf32> to vector<1024x128xf32>
    %sub3A_424 = arith.subf %add3A_422, %slice3A_423 : vector<1024x128xf32>
    %lt3A_425 = arith.cmpf olt, %sub3A_424, %select_n3A_415 : vector<1024x128xf32>
    %select_n3A_426 = arith.select %lt3A_425, %sub3A_424, %select_n3A_415 : vector<1024x128xi1>, vector<1024x128xf32>
    %jit3A_427 = arith.constant 4 : i32
    %broadcast_in_dim3A_428 = vector.broadcast %jit3A_427 : i32 to vector<1024x128xi32>
    %select_n3A_429 = arith.select %lt3A_425, %broadcast_in_dim3A_428, %select_n3A_418 : vector<1024x128xi1>, vector<1024x128xi32>
    %slice3A_430 = vector.extract_strided_slice %get3A_12 {offsets = [0, 4736], sizes = [1, 128], strides = [1, 1]} : vector<1x8192xf32> to vector<1x128xf32>
    %add3A_431 = vector.broadcast %get3A_9 : vector<1024x1xf32> to vector<1024x128xf32>
    %add3A_432 = vector.broadcast %slice3A_430 : vector<1x128xf32> to vector<1024x128xf32>
    %add3A_433 = arith.addf %add3A_431, %add3A_432 : vector<1024x128xf32>
    %slice3A_434 = vector.extract_strided_slice %dot_general3A_6 {offsets = [0, 4736], sizes = [1024, 128], strides = [1, 1]} : vector<1024x8192xf32> to vector<1024x128xf32>
    %sub3A_435 = arith.subf %add3A_433, %slice3A_434 : vector<1024x128xf32>
    %lt3A_436 = arith.cmpf olt, %sub3A_435, %select_n3A_426 : vector<1024x128xf32>
    %select_n3A_437 = arith.select %lt3A_436, %sub3A_435, %select_n3A_426 : vector<1024x128xi1>, vector<1024x128xf32>
    %jit3A_438 = arith.constant 5 : i32
    %broadcast_in_dim3A_439 = vector.broadcast %jit3A_438 : i32 to vector<1024x128xi32>
    %select_n3A_440 = arith.select %lt3A_436, %broadcast_in_dim3A_439, %select_n3A_429 : vector<1024x128xi1>, vector<1024x128xi32>
    %slice3A_441 = vector.extract_strided_slice %get3A_12 {offsets = [0, 4864], sizes = [1, 128], strides = [1, 1]} : vector<1x8192xf32> to vector<1x128xf32>
    %add3A_442 = vector.broadcast %get3A_9 : vector<1024x1xf32> to vector<1024x128xf32>
    %add3A_443 = vector.broadcast %slice3A_441 : vector<1x128xf32> to vector<1024x128xf32>
    %add3A_444 = arith.addf %add3A_442, %add3A_443 : vector<1024x128xf32>
    %slice3A_445 = vector.extract_strided_slice %dot_general3A_6 {offsets = [0, 4864], sizes = [1024, 128], strides = [1, 1]} : vector<1024x8192xf32> to vector<1024x128xf32>
    %sub3A_446 = arith.subf %add3A_444, %slice3A_445 : vector<1024x128xf32>
    %lt3A_447 = arith.cmpf olt, %sub3A_446, %select_n3A_437 : vector<1024x128xf32>
    %select_n3A_448 = arith.select %lt3A_447, %sub3A_446, %select_n3A_437 : vector<1024x128xi1>, vector<1024x128xf32>
    %jit3A_449 = arith.constant 6 : i32
    %broadcast_in_dim3A_450 = vector.broadcast %jit3A_449 : i32 to vector<1024x128xi32>
    %select_n3A_451 = arith.select %lt3A_447, %broadcast_in_dim3A_450, %select_n3A_440 : vector<1024x128xi1>, vector<1024x128xi32>
    %slice3A_452 = vector.extract_strided_slice %get3A_12 {offsets = [0, 4992], sizes = [1, 128], strides = [1, 1]} : vector<1x8192xf32> to vector<1x128xf32>
    %add3A_453 = vector.broadcast %get3A_9 : vector<1024x1xf32> to vector<1024x128xf32>
    %add3A_454 = vector.broadcast %slice3A_452 : vector<1x128xf32> to vector<1024x128xf32>
    %add3A_455 = arith.addf %add3A_453, %add3A_454 : vector<1024x128xf32>
    %slice3A_456 = vector.extract_strided_slice %dot_general3A_6 {offsets = [0, 4992], sizes = [1024, 128], strides = [1, 1]} : vector<1024x8192xf32> to vector<1024x128xf32>
    %sub3A_457 = arith.subf %add3A_455, %slice3A_456 : vector<1024x128xf32>
    %lt3A_458 = arith.cmpf olt, %sub3A_457, %select_n3A_448 : vector<1024x128xf32>
    %select_n3A_459 = arith.select %lt3A_458, %sub3A_457, %select_n3A_448 : vector<1024x128xi1>, vector<1024x128xf32>
    %jit3A_460 = arith.constant 7 : i32
    %broadcast_in_dim3A_461 = vector.broadcast %jit3A_460 : i32 to vector<1024x128xi32>
    %select_n3A_462 = arith.select %lt3A_458, %broadcast_in_dim3A_461, %select_n3A_451 : vector<1024x128xi1>, vector<1024x128xi32>
    %slice3A_463 = vector.extract_strided_slice %get3A_12 {offsets = [0, 5120], sizes = [1, 128], strides = [1, 1]} : vector<1x8192xf32> to vector<1x128xf32>
    %add3A_464 = vector.broadcast %get3A_9 : vector<1024x1xf32> to vector<1024x128xf32>
    %add3A_465 = vector.broadcast %slice3A_463 : vector<1x128xf32> to vector<1024x128xf32>
    %add3A_466 = arith.addf %add3A_464, %add3A_465 : vector<1024x128xf32>
    %slice3A_467 = vector.extract_strided_slice %dot_general3A_6 {offsets = [0, 5120], sizes = [1024, 128], strides = [1, 1]} : vector<1024x8192xf32> to vector<1024x128xf32>
    %sub3A_468 = arith.subf %add3A_466, %slice3A_467 : vector<1024x128xf32>
    %lt3A_469 = arith.cmpf olt, %sub3A_468, %select_n3A_459 : vector<1024x128xf32>
    %select_n3A_470 = arith.select %lt3A_469, %sub3A_468, %select_n3A_459 : vector<1024x128xi1>, vector<1024x128xf32>
    %jit3A_471 = arith.constant 8 : i32
    %broadcast_in_dim3A_472 = vector.broadcast %jit3A_471 : i32 to vector<1024x128xi32>
    %select_n3A_473 = arith.select %lt3A_469, %broadcast_in_dim3A_472, %select_n3A_462 : vector<1024x128xi1>, vector<1024x128xi32>
    %slice3A_474 = vector.extract_strided_slice %get3A_12 {offsets = [0, 5248], sizes = [1, 128], strides = [1, 1]} : vector<1x8192xf32> to vector<1x128xf32>
    %add3A_475 = vector.broadcast %get3A_9 : vector<1024x1xf32> to vector<1024x128xf32>
    %add3A_476 = vector.broadcast %slice3A_474 : vector<1x128xf32> to vector<1024x128xf32>
    %add3A_477 = arith.addf %add3A_475, %add3A_476 : vector<1024x128xf32>
    %slice3A_478 = vector.extract_strided_slice %dot_general3A_6 {offsets = [0, 5248], sizes = [1024, 128], strides = [1, 1]} : vector<1024x8192xf32> to vector<1024x128xf32>
    %sub3A_479 = arith.subf %add3A_477, %slice3A_478 : vector<1024x128xf32>
    %lt3A_480 = arith.cmpf olt, %sub3A_479, %select_n3A_470 : vector<1024x128xf32>
    %select_n3A_481 = arith.select %lt3A_480, %sub3A_479, %select_n3A_470 : vector<1024x128xi1>, vector<1024x128xf32>
    %jit3A_482 = arith.constant 9 : i32
    %broadcast_in_dim3A_483 = vector.broadcast %jit3A_482 : i32 to vector<1024x128xi32>
    %select_n3A_484 = arith.select %lt3A_480, %broadcast_in_dim3A_483, %select_n3A_473 : vector<1024x128xi1>, vector<1024x128xi32>
    %slice3A_485 = vector.extract_strided_slice %get3A_12 {offsets = [0, 5376], sizes = [1, 128], strides = [1, 1]} : vector<1x8192xf32> to vector<1x128xf32>
    %add3A_486 = vector.broadcast %get3A_9 : vector<1024x1xf32> to vector<1024x128xf32>
    %add3A_487 = vector.broadcast %slice3A_485 : vector<1x128xf32> to vector<1024x128xf32>
    %add3A_488 = arith.addf %add3A_486, %add3A_487 : vector<1024x128xf32>
    %slice3A_489 = vector.extract_strided_slice %dot_general3A_6 {offsets = [0, 5376], sizes = [1024, 128], strides = [1, 1]} : vector<1024x8192xf32> to vector<1024x128xf32>
    %sub3A_490 = arith.subf %add3A_488, %slice3A_489 : vector<1024x128xf32>
    %lt3A_491 = arith.cmpf olt, %sub3A_490, %select_n3A_481 : vector<1024x128xf32>
    %select_n3A_492 = arith.select %lt3A_491, %sub3A_490, %select_n3A_481 : vector<1024x128xi1>, vector<1024x128xf32>
    %jit3A_493 = arith.constant 10 : i32
    %broadcast_in_dim3A_494 = vector.broadcast %jit3A_493 : i32 to vector<1024x128xi32>
    %select_n3A_495 = arith.select %lt3A_491, %broadcast_in_dim3A_494, %select_n3A_484 : vector<1024x128xi1>, vector<1024x128xi32>
    %slice3A_496 = vector.extract_strided_slice %get3A_12 {offsets = [0, 5504], sizes = [1, 128], strides = [1, 1]} : vector<1x8192xf32> to vector<1x128xf32>
    %add3A_497 = vector.broadcast %get3A_9 : vector<1024x1xf32> to vector<1024x128xf32>
    %add3A_498 = vector.broadcast %slice3A_496 : vector<1x128xf32> to vector<1024x128xf32>
    %add3A_499 = arith.addf %add3A_497, %add3A_498 : vector<1024x128xf32>
    %slice3A_500 = vector.extract_strided_slice %dot_general3A_6 {offsets = [0, 5504], sizes = [1024, 128], strides = [1, 1]} : vector<1024x8192xf32> to vector<1024x128xf32>
    %sub3A_501 = arith.subf %add3A_499, %slice3A_500 : vector<1024x128xf32>
    %lt3A_502 = arith.cmpf olt, %sub3A_501, %select_n3A_492 : vector<1024x128xf32>
    %select_n3A_503 = arith.select %lt3A_502, %sub3A_501, %select_n3A_492 : vector<1024x128xi1>, vector<1024x128xf32>
    %jit3A_504 = arith.constant 11 : i32
    %broadcast_in_dim3A_505 = vector.broadcast %jit3A_504 : i32 to vector<1024x128xi32>
    %select_n3A_506 = arith.select %lt3A_502, %broadcast_in_dim3A_505, %select_n3A_495 : vector<1024x128xi1>, vector<1024x128xi32>
    %slice3A_507 = vector.extract_strided_slice %get3A_12 {offsets = [0, 5632], sizes = [1, 128], strides = [1, 1]} : vector<1x8192xf32> to vector<1x128xf32>
    %add3A_508 = vector.broadcast %get3A_9 : vector<1024x1xf32> to vector<1024x128xf32>
    %add3A_509 = vector.broadcast %slice3A_507 : vector<1x128xf32> to vector<1024x128xf32>
    %add3A_510 = arith.addf %add3A_508, %add3A_509 : vector<1024x128xf32>
    %slice3A_511 = vector.extract_strided_slice %dot_general3A_6 {offsets = [0, 5632], sizes = [1024, 128], strides = [1, 1]} : vector<1024x8192xf32> to vector<1024x128xf32>
    %sub3A_512 = arith.subf %add3A_510, %slice3A_511 : vector<1024x128xf32>
    %lt3A_513 = arith.cmpf olt, %sub3A_512, %select_n3A_503 : vector<1024x128xf32>
    %select_n3A_514 = arith.select %lt3A_513, %sub3A_512, %select_n3A_503 : vector<1024x128xi1>, vector<1024x128xf32>
    %jit3A_515 = arith.constant 12 : i32
    %broadcast_in_dim3A_516 = vector.broadcast %jit3A_515 : i32 to vector<1024x128xi32>
    %select_n3A_517 = arith.select %lt3A_513, %broadcast_in_dim3A_516, %select_n3A_506 : vector<1024x128xi1>, vector<1024x128xi32>
    %slice3A_518 = vector.extract_strided_slice %get3A_12 {offsets = [0, 5760], sizes = [1, 128], strides = [1, 1]} : vector<1x8192xf32> to vector<1x128xf32>
    %add3A_519 = vector.broadcast %get3A_9 : vector<1024x1xf32> to vector<1024x128xf32>
    %add3A_520 = vector.broadcast %slice3A_518 : vector<1x128xf32> to vector<1024x128xf32>
    %add3A_521 = arith.addf %add3A_519, %add3A_520 : vector<1024x128xf32>
    %slice3A_522 = vector.extract_strided_slice %dot_general3A_6 {offsets = [0, 5760], sizes = [1024, 128], strides = [1, 1]} : vector<1024x8192xf32> to vector<1024x128xf32>
    %sub3A_523 = arith.subf %add3A_521, %slice3A_522 : vector<1024x128xf32>
    %lt3A_524 = arith.cmpf olt, %sub3A_523, %select_n3A_514 : vector<1024x128xf32>
    %select_n3A_525 = arith.select %lt3A_524, %sub3A_523, %select_n3A_514 : vector<1024x128xi1>, vector<1024x128xf32>
    %jit3A_526 = arith.constant 13 : i32
    %broadcast_in_dim3A_527 = vector.broadcast %jit3A_526 : i32 to vector<1024x128xi32>
    %select_n3A_528 = arith.select %lt3A_524, %broadcast_in_dim3A_527, %select_n3A_517 : vector<1024x128xi1>, vector<1024x128xi32>
    %slice3A_529 = vector.extract_strided_slice %get3A_12 {offsets = [0, 5888], sizes = [1, 128], strides = [1, 1]} : vector<1x8192xf32> to vector<1x128xf32>
    %add3A_530 = vector.broadcast %get3A_9 : vector<1024x1xf32> to vector<1024x128xf32>
    %add3A_531 = vector.broadcast %slice3A_529 : vector<1x128xf32> to vector<1024x128xf32>
    %add3A_532 = arith.addf %add3A_530, %add3A_531 : vector<1024x128xf32>
    %slice3A_533 = vector.extract_strided_slice %dot_general3A_6 {offsets = [0, 5888], sizes = [1024, 128], strides = [1, 1]} : vector<1024x8192xf32> to vector<1024x128xf32>
    %sub3A_534 = arith.subf %add3A_532, %slice3A_533 : vector<1024x128xf32>
    %lt3A_535 = arith.cmpf olt, %sub3A_534, %select_n3A_525 : vector<1024x128xf32>
    %select_n3A_536 = arith.select %lt3A_535, %sub3A_534, %select_n3A_525 : vector<1024x128xi1>, vector<1024x128xf32>
    %jit3A_537 = arith.constant 14 : i32
    %broadcast_in_dim3A_538 = vector.broadcast %jit3A_537 : i32 to vector<1024x128xi32>
    %select_n3A_539 = arith.select %lt3A_535, %broadcast_in_dim3A_538, %select_n3A_528 : vector<1024x128xi1>, vector<1024x128xi32>
    %slice3A_540 = vector.extract_strided_slice %get3A_12 {offsets = [0, 6016], sizes = [1, 128], strides = [1, 1]} : vector<1x8192xf32> to vector<1x128xf32>
    %add3A_541 = vector.broadcast %get3A_9 : vector<1024x1xf32> to vector<1024x128xf32>
    %add3A_542 = vector.broadcast %slice3A_540 : vector<1x128xf32> to vector<1024x128xf32>
    %add3A_543 = arith.addf %add3A_541, %add3A_542 : vector<1024x128xf32>
    %slice3A_544 = vector.extract_strided_slice %dot_general3A_6 {offsets = [0, 6016], sizes = [1024, 128], strides = [1, 1]} : vector<1024x8192xf32> to vector<1024x128xf32>
    %sub3A_545 = arith.subf %add3A_543, %slice3A_544 : vector<1024x128xf32>
    %lt3A_546 = arith.cmpf olt, %sub3A_545, %select_n3A_536 : vector<1024x128xf32>
    %select_n3A_547 = arith.select %lt3A_546, %sub3A_545, %select_n3A_536 : vector<1024x128xi1>, vector<1024x128xf32>
    %jit3A_548 = arith.constant 15 : i32
    %broadcast_in_dim3A_549 = vector.broadcast %jit3A_548 : i32 to vector<1024x128xi32>
    %select_n3A_550 = arith.select %lt3A_546, %broadcast_in_dim3A_549, %select_n3A_539 : vector<1024x128xi1>, vector<1024x128xi32>
    %slice3A_551 = vector.extract_strided_slice %get3A_12 {offsets = [0, 6144], sizes = [1, 128], strides = [1, 1]} : vector<1x8192xf32> to vector<1x128xf32>
    %add3A_552 = vector.broadcast %get3A_9 : vector<1024x1xf32> to vector<1024x128xf32>
    %add3A_553 = vector.broadcast %slice3A_551 : vector<1x128xf32> to vector<1024x128xf32>
    %add3A_554 = arith.addf %add3A_552, %add3A_553 : vector<1024x128xf32>
    %slice3A_555 = vector.extract_strided_slice %dot_general3A_6 {offsets = [0, 6144], sizes = [1024, 128], strides = [1, 1]} : vector<1024x8192xf32> to vector<1024x128xf32>
    %sub3A_556 = arith.subf %add3A_554, %slice3A_555 : vector<1024x128xf32>
    %lt3A_557 = arith.cmpf olt, %sub3A_556, %select_n3A_547 : vector<1024x128xf32>
    %select_n3A_558 = arith.select %lt3A_557, %sub3A_556, %select_n3A_547 : vector<1024x128xi1>, vector<1024x128xf32>
    %jit3A_559 = arith.constant 16 : i32
    %broadcast_in_dim3A_560 = vector.broadcast %jit3A_559 : i32 to vector<1024x128xi32>
    %select_n3A_561 = arith.select %lt3A_557, %broadcast_in_dim3A_560, %select_n3A_550 : vector<1024x128xi1>, vector<1024x128xi32>
    %slice3A_562 = vector.extract_strided_slice %get3A_12 {offsets = [0, 6272], sizes = [1, 128], strides = [1, 1]} : vector<1x8192xf32> to vector<1x128xf32>
    %add3A_563 = vector.broadcast %get3A_9 : vector<1024x1xf32> to vector<1024x128xf32>
    %add3A_564 = vector.broadcast %slice3A_562 : vector<1x128xf32> to vector<1024x128xf32>
    %add3A_565 = arith.addf %add3A_563, %add3A_564 : vector<1024x128xf32>
    %slice3A_566 = vector.extract_strided_slice %dot_general3A_6 {offsets = [0, 6272], sizes = [1024, 128], strides = [1, 1]} : vector<1024x8192xf32> to vector<1024x128xf32>
    %sub3A_567 = arith.subf %add3A_565, %slice3A_566 : vector<1024x128xf32>
    %lt3A_568 = arith.cmpf olt, %sub3A_567, %select_n3A_558 : vector<1024x128xf32>
    %select_n3A_569 = arith.select %lt3A_568, %sub3A_567, %select_n3A_558 : vector<1024x128xi1>, vector<1024x128xf32>
    %jit3A_570 = arith.constant 17 : i32
    %broadcast_in_dim3A_571 = vector.broadcast %jit3A_570 : i32 to vector<1024x128xi32>
    %select_n3A_572 = arith.select %lt3A_568, %broadcast_in_dim3A_571, %select_n3A_561 : vector<1024x128xi1>, vector<1024x128xi32>
    %slice3A_573 = vector.extract_strided_slice %get3A_12 {offsets = [0, 6400], sizes = [1, 128], strides = [1, 1]} : vector<1x8192xf32> to vector<1x128xf32>
    %add3A_574 = vector.broadcast %get3A_9 : vector<1024x1xf32> to vector<1024x128xf32>
    %add3A_575 = vector.broadcast %slice3A_573 : vector<1x128xf32> to vector<1024x128xf32>
    %add3A_576 = arith.addf %add3A_574, %add3A_575 : vector<1024x128xf32>
    %slice3A_577 = vector.extract_strided_slice %dot_general3A_6 {offsets = [0, 6400], sizes = [1024, 128], strides = [1, 1]} : vector<1024x8192xf32> to vector<1024x128xf32>
    %sub3A_578 = arith.subf %add3A_576, %slice3A_577 : vector<1024x128xf32>
    %lt3A_579 = arith.cmpf olt, %sub3A_578, %select_n3A_569 : vector<1024x128xf32>
    %select_n3A_580 = arith.select %lt3A_579, %sub3A_578, %select_n3A_569 : vector<1024x128xi1>, vector<1024x128xf32>
    %jit3A_581 = arith.constant 18 : i32
    %broadcast_in_dim3A_582 = vector.broadcast %jit3A_581 : i32 to vector<1024x128xi32>
    %select_n3A_583 = arith.select %lt3A_579, %broadcast_in_dim3A_582, %select_n3A_572 : vector<1024x128xi1>, vector<1024x128xi32>
    %slice3A_584 = vector.extract_strided_slice %get3A_12 {offsets = [0, 6528], sizes = [1, 128], strides = [1, 1]} : vector<1x8192xf32> to vector<1x128xf32>
    %add3A_585 = vector.broadcast %get3A_9 : vector<1024x1xf32> to vector<1024x128xf32>
    %add3A_586 = vector.broadcast %slice3A_584 : vector<1x128xf32> to vector<1024x128xf32>
    %add3A_587 = arith.addf %add3A_585, %add3A_586 : vector<1024x128xf32>
    %slice3A_588 = vector.extract_strided_slice %dot_general3A_6 {offsets = [0, 6528], sizes = [1024, 128], strides = [1, 1]} : vector<1024x8192xf32> to vector<1024x128xf32>
    %sub3A_589 = arith.subf %add3A_587, %slice3A_588 : vector<1024x128xf32>
    %lt3A_590 = arith.cmpf olt, %sub3A_589, %select_n3A_580 : vector<1024x128xf32>
    %select_n3A_591 = arith.select %lt3A_590, %sub3A_589, %select_n3A_580 : vector<1024x128xi1>, vector<1024x128xf32>
    %jit3A_592 = arith.constant 19 : i32
    %broadcast_in_dim3A_593 = vector.broadcast %jit3A_592 : i32 to vector<1024x128xi32>
    %select_n3A_594 = arith.select %lt3A_590, %broadcast_in_dim3A_593, %select_n3A_583 : vector<1024x128xi1>, vector<1024x128xi32>
    %slice3A_595 = vector.extract_strided_slice %get3A_12 {offsets = [0, 6656], sizes = [1, 128], strides = [1, 1]} : vector<1x8192xf32> to vector<1x128xf32>
    %add3A_596 = vector.broadcast %get3A_9 : vector<1024x1xf32> to vector<1024x128xf32>
    %add3A_597 = vector.broadcast %slice3A_595 : vector<1x128xf32> to vector<1024x128xf32>
    %add3A_598 = arith.addf %add3A_596, %add3A_597 : vector<1024x128xf32>
    %slice3A_599 = vector.extract_strided_slice %dot_general3A_6 {offsets = [0, 6656], sizes = [1024, 128], strides = [1, 1]} : vector<1024x8192xf32> to vector<1024x128xf32>
    %sub3A_600 = arith.subf %add3A_598, %slice3A_599 : vector<1024x128xf32>
    %lt3A_601 = arith.cmpf olt, %sub3A_600, %select_n3A_591 : vector<1024x128xf32>
    %select_n3A_602 = arith.select %lt3A_601, %sub3A_600, %select_n3A_591 : vector<1024x128xi1>, vector<1024x128xf32>
    %jit3A_603 = arith.constant 20 : i32
    %broadcast_in_dim3A_604 = vector.broadcast %jit3A_603 : i32 to vector<1024x128xi32>
    %select_n3A_605 = arith.select %lt3A_601, %broadcast_in_dim3A_604, %select_n3A_594 : vector<1024x128xi1>, vector<1024x128xi32>
    %slice3A_606 = vector.extract_strided_slice %get3A_12 {offsets = [0, 6784], sizes = [1, 128], strides = [1, 1]} : vector<1x8192xf32> to vector<1x128xf32>
    %add3A_607 = vector.broadcast %get3A_9 : vector<1024x1xf32> to vector<1024x128xf32>
    %add3A_608 = vector.broadcast %slice3A_606 : vector<1x128xf32> to vector<1024x128xf32>
    %add3A_609 = arith.addf %add3A_607, %add3A_608 : vector<1024x128xf32>
    %slice3A_610 = vector.extract_strided_slice %dot_general3A_6 {offsets = [0, 6784], sizes = [1024, 128], strides = [1, 1]} : vector<1024x8192xf32> to vector<1024x128xf32>
    %sub3A_611 = arith.subf %add3A_609, %slice3A_610 : vector<1024x128xf32>
    %lt3A_612 = arith.cmpf olt, %sub3A_611, %select_n3A_602 : vector<1024x128xf32>
    %select_n3A_613 = arith.select %lt3A_612, %sub3A_611, %select_n3A_602 : vector<1024x128xi1>, vector<1024x128xf32>
    %jit3A_614 = arith.constant 21 : i32
    %broadcast_in_dim3A_615 = vector.broadcast %jit3A_614 : i32 to vector<1024x128xi32>
    %select_n3A_616 = arith.select %lt3A_612, %broadcast_in_dim3A_615, %select_n3A_605 : vector<1024x128xi1>, vector<1024x128xi32>
    %slice3A_617 = vector.extract_strided_slice %get3A_12 {offsets = [0, 6912], sizes = [1, 128], strides = [1, 1]} : vector<1x8192xf32> to vector<1x128xf32>
    %add3A_618 = vector.broadcast %get3A_9 : vector<1024x1xf32> to vector<1024x128xf32>
    %add3A_619 = vector.broadcast %slice3A_617 : vector<1x128xf32> to vector<1024x128xf32>
    %add3A_620 = arith.addf %add3A_618, %add3A_619 : vector<1024x128xf32>
    %slice3A_621 = vector.extract_strided_slice %dot_general3A_6 {offsets = [0, 6912], sizes = [1024, 128], strides = [1, 1]} : vector<1024x8192xf32> to vector<1024x128xf32>
    %sub3A_622 = arith.subf %add3A_620, %slice3A_621 : vector<1024x128xf32>
    %lt3A_623 = arith.cmpf olt, %sub3A_622, %select_n3A_613 : vector<1024x128xf32>
    %select_n3A_624 = arith.select %lt3A_623, %sub3A_622, %select_n3A_613 : vector<1024x128xi1>, vector<1024x128xf32>
    %jit3A_625 = arith.constant 22 : i32
    %broadcast_in_dim3A_626 = vector.broadcast %jit3A_625 : i32 to vector<1024x128xi32>
    %select_n3A_627 = arith.select %lt3A_623, %broadcast_in_dim3A_626, %select_n3A_616 : vector<1024x128xi1>, vector<1024x128xi32>
    %slice3A_628 = vector.extract_strided_slice %get3A_12 {offsets = [0, 7040], sizes = [1, 128], strides = [1, 1]} : vector<1x8192xf32> to vector<1x128xf32>
    %add3A_629 = vector.broadcast %get3A_9 : vector<1024x1xf32> to vector<1024x128xf32>
    %add3A_630 = vector.broadcast %slice3A_628 : vector<1x128xf32> to vector<1024x128xf32>
    %add3A_631 = arith.addf %add3A_629, %add3A_630 : vector<1024x128xf32>
    %slice3A_632 = vector.extract_strided_slice %dot_general3A_6 {offsets = [0, 7040], sizes = [1024, 128], strides = [1, 1]} : vector<1024x8192xf32> to vector<1024x128xf32>
    %sub3A_633 = arith.subf %add3A_631, %slice3A_632 : vector<1024x128xf32>
    %lt3A_634 = arith.cmpf olt, %sub3A_633, %select_n3A_624 : vector<1024x128xf32>
    %select_n3A_635 = arith.select %lt3A_634, %sub3A_633, %select_n3A_624 : vector<1024x128xi1>, vector<1024x128xf32>
    %jit3A_636 = arith.constant 23 : i32
    %broadcast_in_dim3A_637 = vector.broadcast %jit3A_636 : i32 to vector<1024x128xi32>
    %select_n3A_638 = arith.select %lt3A_634, %broadcast_in_dim3A_637, %select_n3A_627 : vector<1024x128xi1>, vector<1024x128xi32>
    %slice3A_639 = vector.extract_strided_slice %get3A_12 {offsets = [0, 7168], sizes = [1, 128], strides = [1, 1]} : vector<1x8192xf32> to vector<1x128xf32>
    %add3A_640 = vector.broadcast %get3A_9 : vector<1024x1xf32> to vector<1024x128xf32>
    %add3A_641 = vector.broadcast %slice3A_639 : vector<1x128xf32> to vector<1024x128xf32>
    %add3A_642 = arith.addf %add3A_640, %add3A_641 : vector<1024x128xf32>
    %slice3A_643 = vector.extract_strided_slice %dot_general3A_6 {offsets = [0, 7168], sizes = [1024, 128], strides = [1, 1]} : vector<1024x8192xf32> to vector<1024x128xf32>
    %sub3A_644 = arith.subf %add3A_642, %slice3A_643 : vector<1024x128xf32>
    %lt3A_645 = arith.cmpf olt, %sub3A_644, %select_n3A_635 : vector<1024x128xf32>
    %select_n3A_646 = arith.select %lt3A_645, %sub3A_644, %select_n3A_635 : vector<1024x128xi1>, vector<1024x128xf32>
    %jit3A_647 = arith.constant 24 : i32
    %broadcast_in_dim3A_648 = vector.broadcast %jit3A_647 : i32 to vector<1024x128xi32>
    %select_n3A_649 = arith.select %lt3A_645, %broadcast_in_dim3A_648, %select_n3A_638 : vector<1024x128xi1>, vector<1024x128xi32>
    %slice3A_650 = vector.extract_strided_slice %get3A_12 {offsets = [0, 7296], sizes = [1, 128], strides = [1, 1]} : vector<1x8192xf32> to vector<1x128xf32>
    %add3A_651 = vector.broadcast %get3A_9 : vector<1024x1xf32> to vector<1024x128xf32>
    %add3A_652 = vector.broadcast %slice3A_650 : vector<1x128xf32> to vector<1024x128xf32>
    %add3A_653 = arith.addf %add3A_651, %add3A_652 : vector<1024x128xf32>
    %slice3A_654 = vector.extract_strided_slice %dot_general3A_6 {offsets = [0, 7296], sizes = [1024, 128], strides = [1, 1]} : vector<1024x8192xf32> to vector<1024x128xf32>
    %sub3A_655 = arith.subf %add3A_653, %slice3A_654 : vector<1024x128xf32>
    %lt3A_656 = arith.cmpf olt, %sub3A_655, %select_n3A_646 : vector<1024x128xf32>
    %select_n3A_657 = arith.select %lt3A_656, %sub3A_655, %select_n3A_646 : vector<1024x128xi1>, vector<1024x128xf32>
    %jit3A_658 = arith.constant 25 : i32
    %broadcast_in_dim3A_659 = vector.broadcast %jit3A_658 : i32 to vector<1024x128xi32>
    %select_n3A_660 = arith.select %lt3A_656, %broadcast_in_dim3A_659, %select_n3A_649 : vector<1024x128xi1>, vector<1024x128xi32>
    %slice3A_661 = vector.extract_strided_slice %get3A_12 {offsets = [0, 7424], sizes = [1, 128], strides = [1, 1]} : vector<1x8192xf32> to vector<1x128xf32>
    %add3A_662 = vector.broadcast %get3A_9 : vector<1024x1xf32> to vector<1024x128xf32>
    %add3A_663 = vector.broadcast %slice3A_661 : vector<1x128xf32> to vector<1024x128xf32>
    %add3A_664 = arith.addf %add3A_662, %add3A_663 : vector<1024x128xf32>
    %slice3A_665 = vector.extract_strided_slice %dot_general3A_6 {offsets = [0, 7424], sizes = [1024, 128], strides = [1, 1]} : vector<1024x8192xf32> to vector<1024x128xf32>
    %sub3A_666 = arith.subf %add3A_664, %slice3A_665 : vector<1024x128xf32>
    %lt3A_667 = arith.cmpf olt, %sub3A_666, %select_n3A_657 : vector<1024x128xf32>
    %select_n3A_668 = arith.select %lt3A_667, %sub3A_666, %select_n3A_657 : vector<1024x128xi1>, vector<1024x128xf32>
    %jit3A_669 = arith.constant 26 : i32
    %broadcast_in_dim3A_670 = vector.broadcast %jit3A_669 : i32 to vector<1024x128xi32>
    %select_n3A_671 = arith.select %lt3A_667, %broadcast_in_dim3A_670, %select_n3A_660 : vector<1024x128xi1>, vector<1024x128xi32>
    %slice3A_672 = vector.extract_strided_slice %get3A_12 {offsets = [0, 7552], sizes = [1, 128], strides = [1, 1]} : vector<1x8192xf32> to vector<1x128xf32>
    %add3A_673 = vector.broadcast %get3A_9 : vector<1024x1xf32> to vector<1024x128xf32>
    %add3A_674 = vector.broadcast %slice3A_672 : vector<1x128xf32> to vector<1024x128xf32>
    %add3A_675 = arith.addf %add3A_673, %add3A_674 : vector<1024x128xf32>
    %slice3A_676 = vector.extract_strided_slice %dot_general3A_6 {offsets = [0, 7552], sizes = [1024, 128], strides = [1, 1]} : vector<1024x8192xf32> to vector<1024x128xf32>
    %sub3A_677 = arith.subf %add3A_675, %slice3A_676 : vector<1024x128xf32>
    %lt3A_678 = arith.cmpf olt, %sub3A_677, %select_n3A_668 : vector<1024x128xf32>
    %select_n3A_679 = arith.select %lt3A_678, %sub3A_677, %select_n3A_668 : vector<1024x128xi1>, vector<1024x128xf32>
    %jit3A_680 = arith.constant 27 : i32
    %broadcast_in_dim3A_681 = vector.broadcast %jit3A_680 : i32 to vector<1024x128xi32>
    %select_n3A_682 = arith.select %lt3A_678, %broadcast_in_dim3A_681, %select_n3A_671 : vector<1024x128xi1>, vector<1024x128xi32>
    %slice3A_683 = vector.extract_strided_slice %get3A_12 {offsets = [0, 7680], sizes = [1, 128], strides = [1, 1]} : vector<1x8192xf32> to vector<1x128xf32>
    %add3A_684 = vector.broadcast %get3A_9 : vector<1024x1xf32> to vector<1024x128xf32>
    %add3A_685 = vector.broadcast %slice3A_683 : vector<1x128xf32> to vector<1024x128xf32>
    %add3A_686 = arith.addf %add3A_684, %add3A_685 : vector<1024x128xf32>
    %slice3A_687 = vector.extract_strided_slice %dot_general3A_6 {offsets = [0, 7680], sizes = [1024, 128], strides = [1, 1]} : vector<1024x8192xf32> to vector<1024x128xf32>
    %sub3A_688 = arith.subf %add3A_686, %slice3A_687 : vector<1024x128xf32>
    %lt3A_689 = arith.cmpf olt, %sub3A_688, %select_n3A_679 : vector<1024x128xf32>
    %select_n3A_690 = arith.select %lt3A_689, %sub3A_688, %select_n3A_679 : vector<1024x128xi1>, vector<1024x128xf32>
    %jit3A_691 = arith.constant 28 : i32
    %broadcast_in_dim3A_692 = vector.broadcast %jit3A_691 : i32 to vector<1024x128xi32>
    %select_n3A_693 = arith.select %lt3A_689, %broadcast_in_dim3A_692, %select_n3A_682 : vector<1024x128xi1>, vector<1024x128xi32>
    %slice3A_694 = vector.extract_strided_slice %get3A_12 {offsets = [0, 7808], sizes = [1, 128], strides = [1, 1]} : vector<1x8192xf32> to vector<1x128xf32>
    %add3A_695 = vector.broadcast %get3A_9 : vector<1024x1xf32> to vector<1024x128xf32>
    %add3A_696 = vector.broadcast %slice3A_694 : vector<1x128xf32> to vector<1024x128xf32>
    %add3A_697 = arith.addf %add3A_695, %add3A_696 : vector<1024x128xf32>
    %slice3A_698 = vector.extract_strided_slice %dot_general3A_6 {offsets = [0, 7808], sizes = [1024, 128], strides = [1, 1]} : vector<1024x8192xf32> to vector<1024x128xf32>
    %sub3A_699 = arith.subf %add3A_697, %slice3A_698 : vector<1024x128xf32>
    %lt3A_700 = arith.cmpf olt, %sub3A_699, %select_n3A_690 : vector<1024x128xf32>
    %select_n3A_701 = arith.select %lt3A_700, %sub3A_699, %select_n3A_690 : vector<1024x128xi1>, vector<1024x128xf32>
    %jit3A_702 = arith.constant 29 : i32
    %broadcast_in_dim3A_703 = vector.broadcast %jit3A_702 : i32 to vector<1024x128xi32>
    %select_n3A_704 = arith.select %lt3A_700, %broadcast_in_dim3A_703, %select_n3A_693 : vector<1024x128xi1>, vector<1024x128xi32>
    %slice3A_705 = vector.extract_strided_slice %get3A_12 {offsets = [0, 7936], sizes = [1, 128], strides = [1, 1]} : vector<1x8192xf32> to vector<1x128xf32>
    %add3A_706 = vector.broadcast %get3A_9 : vector<1024x1xf32> to vector<1024x128xf32>
    %add3A_707 = vector.broadcast %slice3A_705 : vector<1x128xf32> to vector<1024x128xf32>
    %add3A_708 = arith.addf %add3A_706, %add3A_707 : vector<1024x128xf32>
    %slice3A_709 = vector.extract_strided_slice %dot_general3A_6 {offsets = [0, 7936], sizes = [1024, 128], strides = [1, 1]} : vector<1024x8192xf32> to vector<1024x128xf32>
    %sub3A_710 = arith.subf %add3A_708, %slice3A_709 : vector<1024x128xf32>
    %lt3A_711 = arith.cmpf olt, %sub3A_710, %select_n3A_701 : vector<1024x128xf32>
    %select_n3A_712 = arith.select %lt3A_711, %sub3A_710, %select_n3A_701 : vector<1024x128xi1>, vector<1024x128xf32>
    %jit3A_713 = arith.constant 30 : i32
    %broadcast_in_dim3A_714 = vector.broadcast %jit3A_713 : i32 to vector<1024x128xi32>
    %select_n3A_715 = arith.select %lt3A_711, %broadcast_in_dim3A_714, %select_n3A_704 : vector<1024x128xi1>, vector<1024x128xi32>
    %slice3A_716 = vector.extract_strided_slice %get3A_12 {offsets = [0, 8064], sizes = [1, 128], strides = [1, 1]} : vector<1x8192xf32> to vector<1x128xf32>
    %add3A_717 = vector.broadcast %get3A_9 : vector<1024x1xf32> to vector<1024x128xf32>
    %add3A_718 = vector.broadcast %slice3A_716 : vector<1x128xf32> to vector<1024x128xf32>
    %add3A_719 = arith.addf %add3A_717, %add3A_718 : vector<1024x128xf32>
    %slice3A_720 = vector.extract_strided_slice %dot_general3A_6 {offsets = [0, 8064], sizes = [1024, 128], strides = [1, 1]} : vector<1024x8192xf32> to vector<1024x128xf32>
    %sub3A_721 = arith.subf %add3A_719, %slice3A_720 : vector<1024x128xf32>
    %lt3A_722 = arith.cmpf olt, %sub3A_721, %select_n3A_712 : vector<1024x128xf32>
    %select_n3A_723 = arith.select %lt3A_722, %sub3A_721, %select_n3A_712 : vector<1024x128xi1>, vector<1024x128xf32>
    %jit3A_724 = arith.constant 31 : i32
    %broadcast_in_dim3A_725 = vector.broadcast %jit3A_724 : i32 to vector<1024x128xi32>
    %select_n3A_726 = arith.select %lt3A_722, %broadcast_in_dim3A_725, %select_n3A_715 : vector<1024x128xi1>, vector<1024x128xi32>
    %reduce_min3A_727 = arith.constant dense<0x7F800000> : vector<1024xf32>
    %reduce_min3A_728 = vector.multi_reduction <minimumf>, %select_n3A_723, %reduce_min3A_727 [1] : vector<1024x128xf32> to vector<1024xf32>
    %mul3A_729 = arith.constant 128 : i32
    %mul3A_730 = vector.broadcast %mul3A_729 : i32 to vector<1024x128xi32>
    %mul3A_731 = arith.muli %select_n3A_726, %mul3A_730 : vector<1024x128xi32>
    %add3A_732 = arith.addi %mul3A_731, %iota3A : vector<1024x128xi32>
    %broadcast_in_dim3A_733 = vector.shape_cast %reduce_min3A_728 : vector<1024xf32> to vector<1024x1xf32>
    %eq3A_734 = vector.broadcast %broadcast_in_dim3A_733 : vector<1024x1xf32> to vector<1024x128xf32>
    %eq3A_735 = arith.cmpf oeq, %select_n3A_723, %eq3A_734 : vector<1024x128xf32>
    %jit3A_736 = arith.constant 8192 : i32
    %broadcast_in_dim3A_737 = vector.broadcast %jit3A_736 : i32 to vector<1024x128xi32>
    %select_n3A_738 = arith.select %eq3A_735, %add3A_732, %broadcast_in_dim3A_737 : vector<1024x128xi1>, vector<1024x128xi32>
    %reduce_min3A_739 = arith.constant dense<2147483647> : vector<1024xi32>
    %reduce_min3A_740 = vector.multi_reduction <minsi>, %select_n3A_738, %reduce_min3A_739 [1] : vector<1024x128xi32> to vector<1024xi32>
    %lt3A_741 = arith.cmpf olt, %reduce_min3A_728, %select_n3A_373 : vector<1024xf32>
    %add3A_742 = arith.constant 4096 : i32
    %add3A_743 = vector.broadcast %add3A_742 : i32 to vector<1024xi32>
    %add3A_744 = arith.addi %reduce_min3A_740, %add3A_743 : vector<1024xi32>
    %select_n3A_745 = arith.select %lt3A_741, %add3A_744, %select_n3A_377 : vector<1024xi1>, vector<1024xi32>
    %reshape3A = vector.shape_cast %select_n3A_745 : vector<1024xi32> to vector<1x1x1024xi32>
    %swap3A = arith.constant 0 : index
    %swap3A_746 = arith.constant 0 : index
    %swap3A_747 = arith.constant 0 : index
    %swap3A_748 = vector.load %arg5[%swap3A, %swap3A_746, %swap3A_747] : memref<1x1x1024xi32, #tpu.memory_space<vmem>>, vector<1x1x1024xi32>
    tpu.vector_store %arg5[%swap3A, %swap3A_746, %swap3A_747], %reshape3A {strides = array<i32>} : memref<1x1x1024xi32, #tpu.memory_space<vmem>>, vector<1x1x1024xi32>,
    return
  }
  func.func @transform_0(%arg0: i32) -> (i32, i32) {
    %c0_i32 = arith.constant 0 : i32
    %c0_i32_0 = arith.constant 0 : i32
    return %arg0, %c0_i32 : i32, i32
  }
  func.func @transform_1(%arg0: i32) -> (i32, i32) {
    %c0_i32 = arith.constant 0 : i32
    %c0_i32_0 = arith.constant 0 : i32
    %c0_i32_1 = arith.constant 0 : i32
    return %c0_i32, %c0_i32_0 : i32, i32
  }
  func.func @transform_2(%arg0: i32) -> (i32, i32) {
    %c0_i32 = arith.constant 0 : i32
    %c0_i32_0 = arith.constant 0 : i32
    return %arg0, %c0_i32 : i32, i32
  }
  func.func @transform_3(%arg0: i32) -> (i32, i32) {
    %c0_i32 = arith.constant 0 : i32
    %c0_i32_0 = arith.constant 0 : i32
    %c0_i32_1 = arith.constant 0 : i32
    return %c0_i32, %c0_i32_0 : i32, i32
  }
  func.func @transform_4(%arg0: i32) -> (i32, i32, i32) {
    %c0_i32 = arith.constant 0 : i32
    %c0_i32_0 = arith.constant 0 : i32
    %c0_i32_1 = arith.constant 0 : i32
    return %arg0, %c0_i32, %c0_i32_0 : i32, i32, i32
  }
}

</mosaic_0001>

<sc_bundles>
// kernel: kernel.4.cloned.1.call-start
scs
__scs_entry_jumppad:
0x0: {  	(pc) =	sbr.rel $0x88, $3  }
0x1: {  	(tag) =	ssettag $0x0;
	lr =	simm.s32 $0x1  }
0x2: {  	[smem:$0x3F9F] =	sst lr;
	_ =	strace $0xD0000000  }
0x3: {  	_ = 	snop  }
0x4: {  	_ = 	snop  }
0x5: {  	_ = 	snop  }
0x6: {  	_ = 	snop  }
0x7: {  	_ = 	snop  }
__scs_overlays_trampoline_lowered:
0x8: {  	[smem:$0x3FAE] =	sst s0  }
0x9: {  	[smem:$0x3FAF] =	sst s1  }
0xa: {  	[smem:$0x3FB0] =	sst s2  }
0xb: {  	[smem:$0x3FB1] =	sst s3  }
0xc: {  	[smem:$0x3FB2] =	sst s4  }
0xd: {  	[smem:$0x3FB3] =	sst s5  }
0xe: {  	[smem:$0x3FB4] =	sst s6  }
0xf: {  	[smem:$0x3FB5] =	sst s7  }
0x10: {  	[smem:$0x3FB6] =	sst s8  }
0x11: {  	[smem:$0x3FB7] =	sst s9;
	s0 =	simm.s32 @!p0 $0x0  }
0x12: {  	s1 =	sld [smem:$0x3F9D];
	s0 =	simm.s32 @p0 $0x1  }
0x13: {  	[smem:$0x3FB8] =	sst s0;
	s0 =	simm.s32 @!p1 $0x0  }
0x14: {  	s2 =	sld [smem:$0x3F9C];
	s0 =	simm.s32 @p1 $0x1  }
0x15: {  	[smem:$0x3FB9] =	sst s0;
	s0 =	simm.s32 @!p2 $0x0  }
0x16: {  	s3 =	sld [smem:$0x3FDB];
	s0 =	simm.s32 @p2 $0x1  }
0x17: {  	s4 =	simm.s32 $0x1BF5;
	[smem:$0x3FBB] =	sst s0  }
0x18: {  	s0 =	sld [smem:$0x3F9E];
	_ =	swait.ge [sflag:s4], $0x0  }
0x19: {  	s7 =	sld [smem:$0x3F9F]  }
0x1a: {  	s8 =	sadd.s32 $0xFFFFE003, lr  }
0x1b: {  	s9 =	sadd.s32 $0xFFFFFEF7, lr;
	s5 =	simm.s32 $0xFFFFFFFF;
	p2 =	slt.u32 s8, $0xFFFFF086  }
0x1c: {  	p1 =	slt.u32 s9, $0xF7A;
	s5 =	simm.s32 @!p2 $0x0  }
0x1d: {  	s5 =	simm.s32 @p1 $0x1;
	p0 =	seq.s32 s7, s2  }
0x1e: {  	s7 =	smul.u32 @!p0 $0xF7A, s2;
	p2 =	seq.s32 @!p0 s5, $0x0  }
0x1f: {  	s9 =	smul.u32 $0xF7A, s1;
	s8 =	simm.s32 @!p0 $0x1BF5;
	p2 =	por !p2, p0  }
0x20: {  	[sflag:s8] =	ssyncset.s32 @!p0 $0xFFFFF086;
	s6 =	sadd.s32 @!p0 s3, s7;
	s7 =	simm.s32 @!p0 $0x108  }
0x21: {  	s3 =	sadd.s32 s3, s9;
	s6 =	sadd.s32 @!p0 $0x88, s6;
	s7 =	simm.s32 @p2 $0x1082  }
0x22: {  	[simem:s7], [sflag:s8] =	dma.local @!p0 [hbm:s6], $0xF7A  }
0x23: {  	s9 =	sor.u32 $0xD0000000, s2;
	s6 =	simm.s32 $0x108;
	_ =	swait.ge @!p0 [sflag:s8], $0x0  }
0x24: {  	s3 =	sadd.s32 $0x88, s3;
	s6 =	simm.s32 @!p1 $0x1082;
	[sflag:s4] =	ssyncset.s32 $0xFFFFF086  }
0x25: {  	[simem:s6], [sflag:s4] =	dma.local [hbm:s3], $0xF7A  }
0x26: {  	[smem:$0x3F9F] =	sst s1;
	(tag) =	ssettag s2;
	_ =	strace s9  }
0x27: {  	s1 =	sld [smem:$0x3FAF]  }
0x28: {  	s2 =	sld [smem:$0x3FB0]  }
0x29: {  	s4 =	sld [smem:$0x3FB2]  }
0x2a: {  	p0 =	seq.s32 s5, $0x0;
	s5 =	sld [smem:$0x3FB3]  }
0x2b: {  	s6 =	sld [smem:$0x3FB4]  }
0x2c: {  	s7 =	sld [smem:$0x3FB5]  }
0x2d: {  	s3 =	simm.s32 $0x108;
	s8 =	sld [smem:$0x3FB6]  }
0x2e: {  	s3 =	simm.s32 @!p0 $0x1082;
	s9 =	sld [smem:$0x3FB7]  }
0x2f: {  	lr =	sadd.s32 s0, s3;
	s0 =	sld [smem:$0x3FAE]  }
0x30: {  	s3 =	sld [smem:$0x3FB1]  }
0x31: {  	[smem:$0x3FBA] =	sst s10  }
0x32: {  	s10 =	sld [smem:$0x3FB8];
	_ =	sdelay $0x3  }
0x33: {  	p0 =	seq.s32 s10, $0x1;
	s10 =	sld [smem:$0x3FBA];
	_ =	sdelay $0x3  }
0x34: {  	[smem:$0x3FBA] =	sst s10  }
0x35: {  	s10 =	sld [smem:$0x3FB9];
	_ =	sdelay $0x3  }
0x36: {  	p1 =	seq.s32 s10, $0x1;
	s10 =	sld [smem:$0x3FBA];
	_ =	sdelay $0x3  }
0x37: {  	[smem:$0x3FBA] =	sst s10  }
0x38: {  	s10 =	sld [smem:$0x3FBB]  }
0x39: {  	_ = 	snop;
	(pc) =	sbr.ind lr, $3  }
0x3a: {  	_ = 	snop  }
0x3b: {  	_ = 	snop  }
0x3c: {  	p2 =	seq.s32 s10, $0x1;
	s10 =	sld [smem:$0x3FBA]  }
0x3d: {  	_ =	shalt  }
0x3e: {  	_ =	shalt  }
0x3f: {  	_ =	shalt  }
0x40: {  	_ =	shalt  }
0x41: {  	_ =	shalt  }
0x42: {  	_ =	shalt  }
0x43: {  	_ =	shalt  }
0x44: {  	_ =	shalt  }
0x45: {  	_ =	shalt  }
0x46: {  	_ =	shalt  }
0x47: {  	_ =	shalt  }
0x48: {  	_ =	shalt  }
0x49: {  	_ =	shalt  }
0x4a: {  	_ =	shalt  }
0x4b: {  	_ =	shalt  }
0x4c: {  	_ =	shalt  }
0x4d: {  	_ =	shalt  }
0x4e: {  	_ =	shalt  }
0x4f: {  	_ =	shalt  }
0x50: {  	_ =	shalt  }
0x51: {  	_ =	shalt  }
0x52: {  	_ =	shalt  }
0x53: {  	_ =	shalt  }
0x54: {  	_ =	shalt  }
0x55: {  	_ =	shalt  }
0x56: {  	_ =	shalt  }
0x57: {  	_ =	shalt  }
0x58: {  	_ =	shalt  }
0x59: {  	_ =	shalt  }
0x5a: {  	_ =	shalt  }
0x5b: {  	_ =	shalt  }
0x5c: {  	_ =	shalt  }
0x5d: {  	_ =	shalt  }
0x5e: {  	_ =	shalt  }
0x5f: {  	_ =	shalt  }
0x60: {  	_ =	shalt  }
0x61: {  	_ =	shalt  }
0x62: {  	_ =	shalt  }
0x63: {  	_ =	shalt  }
0x64: {  	_ =	shalt  }
0x65: {  	_ =	shalt  }
0x66: {  	_ =	shalt  }
0x67: {  	_ =	shalt  }
0x68: {  	_ =	shalt  }
0x69: {  	_ =	shalt  }
0x6a: {  	_ =	shalt  }
0x6b: {  	_ =	shalt  }
0x6c: {  	_ =	shalt  }
0x6d: {  	_ =	shalt  }
0x6e: {  	_ =	shalt  }
0x6f: {  	_ =	shalt  }
0x70: {  	_ =	shalt  }
0x71: {  	_ =	shalt  }
0x72: {  	_ =	shalt  }
0x73: {  	_ =	shalt  }
0x74: {  	_ =	shalt  }
0x75: {  	_ =	shalt  }
0x76: {  	_ =	shalt  }
0x77: {  	_ =	shalt  }
0x78: {  	_ =	shalt  }
0x79: {  	_ =	shalt  }
0x7a: {  	_ =	shalt  }
0x7b: {  	_ =	shalt  }
0x7c: {  	_ =	shalt  }
0x7d: {  	_ =	shalt  }
0x7e: {  	_ =	shalt  }
0x7f: {  	_ =	shalt  }
0x80: {  	_ =	shalt  }
0x81: {  	_ =	shalt  }
0x82: {  	_ =	shalt  }
0x83: {  	_ =	shalt  }
0x84: {  	_ =	shalt  }
0x85: {  	_ =	shalt  }
0x86: {  	_ =	shalt  }
0x87: {  	_ =	shalt  }
.Lfunc_end0:
.L_simem_size_0:
called_computation_lowered:
.L_overlay_start_0:
0x88: {  	s2 =	sld [smem:$0x3FD9]  }
0x89: {  	s3 =	sld [smem:$0x3FFE];
	_ =	sdelay $0x1  }
0x8a: {  	s1 =	srdreg.scid  }
0x8b: {  	s0 =	sand.u32 $0x1, s1  }
0x8c: {  	s14 =	sshll.u32 s0, $0xA;
	s2 =	sadd.s32 s3, s2  }
0x8d: {  	s2 =	sadd.s32 s2, s14  }
0x8e: {  	[smem:$0x3FC6] =	sst s2  }
0x8f: {  	_ = 	snop  }
0x90: {  	s2 =	sld [smem:$0x3FD0];
	_ =	sdelay $0x2  }
0x91: {  	s15 =	simm.s32 $0xA;
	s4 =	simm.s32 $0x10  }
0x92: {  	[smem:s4], [sflag:s15] =	dma.local [hbm:s2], $0x1  }
0x93: {  	_ =	swait.eq [sflag:s15], $0x1  }
0x94: {  	[sflag:s15] =	ssyncset.done $0x0  }
0x95: {  	[sflag:s15] =	ssyncadd.s32 $0xFFFFFFFF  }
0x96: {  	s16 =	sld [smem:$0x10];
	(tm) =	ssettm $0x1  }
0x97: {  	s17 =	sld [smem:$0x3FFB];
	_ =	sdelay $0x3  }
0x98: {  	_ =	strace s17  }
0x99: {  	s3 =	sld [smem:$0x3FFC];
	_ =	sdelay $0x3  }
0x9a: {  	_ =	strace s3  }
0x9b: {  	s3 =	sld [smem:$0x3FFD];
	_ =	sdelay $0x3  }
0x9c: {  	_ =	strace s3  }
0x9d: {  	_ =	strace $0x8FFFFFFF  }
0x9e: {  	s18 =	sld [smem:$0x3FDB];
	_ =	sdelay $0x1  }
0x9f: {  	s19 =	simm.s32 $_scs_section_size  }
0xa0: {  	s5 =	simm.s32 $_size__tile_overlayer_lowered;
	s6 =	simm.s32 $_tile_overlayer_lowered  }
0xa1: {  	s22 =	simm.s32 $0x1BFF;
	s21 =	sshll.u32 s6, $0x1;
	s3 =	sadd.s32 s19, s18  }
0xa2: {  	s7 =	simm.s32 $0x0;
	s20 =	sshll.u32 s5, $0x1;
	s5 =	sadd.s32 s21, s3  }
0xa3: {  	[timem:s7], [sflag:s22] =	dma.local [hbm:s5], s20  }
0xa4: {  	_ =	swait.ge [sflag:s22], s20  }
0xa5: {  	s4 =	ssub.s32 $0x0, s20;
	[sflag:s22] =	ssyncset.done $0x0  }
0xa6: {  	[sflag:s22] =	ssyncadd.s32 s4;
	_ =	sdelay $0x1  }
0xa7: {  	s23 =	simm.s32 $0x1B8B  }
0xa8: {  	_ =	swait.ge [sflag:s23], $0x1  }
0xa9: {  	[sflag:s23] =	ssyncset.done $0x0  }
0xaa: {  	s25 =	simm.s32 $0x1B8E;
	s24 =	sld [smem:$0x3FFE];
	[sflag:s23] =	ssyncadd.s32 $0xFFFFFFFF  }
0xab: {  	s26 =	simm.s32 $execute0_lowered;
	[smem:$0x3FD2] =	sst s25  }
0xac: {  	s5 =	sshll.u32 s26, $0x1;
	_ =	strace $0x80000046;
	[dreg:$0x1] =	wrdreg $0xFFFFFFFF  }
0xad: {  	s28 =	simm.s32 $_size_execute0_lowered;
	s3 =	sadd.s32 s3, s5;
	[dreg:$0x0] =	wrdreg $0x0  }
0xae: {  	s5 =	sshll.u32 s28, $0x1;
	[dreg:$0x2] =	wrdreg s3  }
0xaf: {  	[dreg:$0x3] =	wrdreg s5  }
0xb0: {  	[dreg:$0x4] =	wrdreg $0xC0  }
0xb1: {  	_ =	task [dreg:s7], $0x5FFFF  }
0xb2: {  	[dreg:$0x1] =	wrdreg $0xFFFFFFFF  }
0xb3: {  	[dreg:$0x0] =	wrdreg $0x60  }
0xb4: {  	[dreg:$0x2] =	wrdreg s24  }
0xb5: {  	[dreg:$0x3] =	wrdreg s16  }
0xb6: {  	[dreg:$0x4] =	wrdreg $0x9  }
0xb7: {  	_ =	task.clear_ibuf [dreg:s7], $0x5FFFF;
	_ =	strace $0x90000046  }
0xb8: {  	s29 =	simm.s32 $0x9;
	_ =	strace $0x80000048  }
0xb9: {  	_ =	swait.ge [sflag:s29], $0x1  }
0xba: {  	[sflag:s29] =	ssyncadd.s32 $0xFFFFFFFF  }
0xbb: {  	_ =	strace $0x90000048  }
0xbc: {  	_ =	sfence  }
0xbd: {  	s30 =	sld [smem:$0x0];
	_ =	sdelay $0x2  }
0xbe: {  	s31 =	sshll.u32 s1, $0xD;
	s1 =	sshrl.u32 s1, $0x2  }
0xbf: {  	s3 =	sand.u32 $0x4000, s31;
	s1 =	sadd.s32 s1, s30  }
0xc0: {  	s0 =	sor.u32 s3, s0;
	s1 =	sshll.u32 s1, $0x11  }
0xc1: {  	s0 =	sor.u32 s1, s0  }
0xc2: {  	s0 =	sadd.s32 $0x8F2B, s0  }
0xc3: {  	[sflag:s0] =	ssyncadd.remote.s32 $0x1  }
0xc4: {  	_ =	sfence.sel $0xFFFF  }
0xc5: {  	[dreg:$0x0] =	wrdreg $0xFFFFFFFF;
	(pc) =	sbr.abs _section_cstart, $3  }
0xc6: {  	[dreg:$0x1] =	wrdreg $0xFFFFFFFF  }
0xc7: {  	_ =	task.clear_ibuf [dreg:s7], $0x2FFFF;
	_ =	strace $0x9FFFFFFF  }
0xc8: {  	(tm) =	ssettm $0x7FFFFFFF  }
0xc9: {  	_ =	shalt  }
tec
execute0_lowered:
.L_overlay_start_1:
0x0: {  	(tag) =	ssettag $0x1  }
0x1: {  	s1 =	srdreg.scid;
	s0 =	stileid.u32  }
0x2: {  	s5 =	rddreg [dreg:$0x0];
	s14 =	sand.u32 $0x1, s1;
	s29 =	sshll.u32 s0, $0x1  }
0x3: {  	s15 =	rddreg [dreg:$0x1];
	s16 =	sor.u32 s14, s29  }
0x4: {  	s2 =	simm.s32 $0x0;
	s1 =	rddreg [dreg:$0x2];
	s3 =	sshll.u32 s16, $0x6  }
0x5: {  	[smem:$0x7FF] =	sst s2;
	s3 =	sadd.s32 s3, s5  }
0x6: {  	_ =	strace $0x80000047;
	s4 =	sadd.s32 $0x8400, s3;
	s3 =	simm.s32 $0x2  }
0x7: {  	[tilespmem:s2], [sflag:$0x2] =	stream.linear.gather [hbm4b:s4+s2], $0x200, $0x38;
	[tilespmem:$0x4200] =	vst v63  }
0x8: {  	_ =	swait.ge [sflag:s3], $0x200  }
0x9: {  	s6 =	simm.s32 $0x80;
	[sflag:s3] =	ssyncset.done $0x0  }
0xa: {  	s7 =	simm.s32 $0x200;
	s5 =	sadd.s32 $0x400, s5;
	[sflag:s3] =	ssyncadd.s32 $0xFFFFFE00  }
0xb: {  	[tilespmem:s7], [sflag:$0x1] =	stream.indirect.gather [hbm4b:s5+s6], $0x20, s2, s6, $0xb8;
	[tilespmem:$0x4200] =	vst v63  }
0xc: {  	s8 =	simm.s32 $0x1200  }
0xd: {  	[tilespmem:s8], [sflag:$0x1] =	stream.indirect.gather [hbm4b:s5+s6], $0x20, s6, s6, $0xb8;
	[tilespmem:$0x4200] =	vst v63  }
0xe: {  	s9 =	simm.s32 $0x100;
	s10 =	simm.s32 $0x2200  }
0xf: {  	[tilespmem:s10], [sflag:$0x1] =	stream.indirect.gather [hbm4b:s5+s6], $0x20, s9, s6, $0xb8;
	[tilespmem:$0x4200] =	vst v63  }
0x10: {  	s11 =	simm.s32 $0x180;
	s12 =	simm.s32 $0x3200;
	s13 =	simm.s32 $0x1  }
0x11: {  	[tilespmem:s12], [sflag:$0x1] =	stream.indirect.gather [hbm4b:s5+s6], $0x20, s11, s6, $0xb8;
	[tilespmem:$0x4200] =	vst v63  }
0x12: {  	_ =	swait.ge [sflag:s13], $0x1000  }
0x13: {  	[sflag:s13] =	ssyncset.done $0x0  }
0x14: {  	[sflag:s13] =	ssyncadd.s32 $0xFFFFF000  }
0x15: {  	_ =	swait.ge [sflag:s13], $0x1000  }
0x16: {  	[sflag:s13] =	ssyncset.done $0x0  }
0x17: {  	s14 =	ssub.s32 $0x2, s14;
	[sflag:s13] =	ssyncadd.s32 $0xFFFFF000  }
0x18: {  	s17 =	sshrl.u32 s14, $0x1;
	_ =	swait.ge [sflag:s13], $0x1000  }
0x19: {  	s17 =	ssub.s32 s14, s17;
	[sflag:s13] =	ssyncset.done $0x0  }
0x1a: {  	s31 =	smax.u32 s17, $0x1;
	[sflag:s13] =	ssyncadd.s32 $0xFFFFF000  }
0x1b: {  	p0 =	sne.s32 s31, $0x1;
	_ =	swait.ge [sflag:s13], $0x1000  }
.Ltmp0:
0x1c: {  	s30 =	sshll.u32 s16, $0xB;
	[sflag:s13] =	ssyncset.done $0x0;
	(pc) =	sbr.rel @!p0 .LBB2_2-.Ltmp0, $4  }
0x1d: {  	s14 =	sadd.s32 s15, s30;
	[sflag:s13] =	ssyncadd.s32 $0xFFFFF000  }
0x1e: {  	[hbm4b:s14+s2] =	stream.linear.scatter [tilespmem:s7], [sflag:$0x2], $0x4000, $0x38;
	[tilespmem:$0x4200] =	vst v63  }
0x1f: {  	_ =	swait.ge [sflag:s3], $0x4000  }
0x20: {  	s15 =	sadd.s32 $0xFFFFFFFF, s31;
	[sflag:s3] =	ssyncset.done $0x0  }
.LBB2_1:
0x21: {  	p0 =	sne.s32 s15, $0x1;
	s15 =	sadd.s32 $0xFFFFFFFF, s15;
	[sflag:s3] =	ssyncadd.s32 $0xFFFFC000  }
0x22: {  	[tilespmem:s2], [sflag:$0x2] =	stream.linear.gather [hbm4b:s4+s2], $0x200, $0x38;
	[tilespmem:$0x4200] =	vst v63  }
0x23: {  	_ =	swait.ge [sflag:s3], $0x200  }
0x24: {  	[sflag:s3] =	ssyncset.done $0x0  }
0x25: {  	[sflag:s3] =	ssyncadd.s32 $0xFFFFFE00  }
0x26: {  	[tilespmem:s7], [sflag:$0x1] =	stream.indirect.gather [hbm4b:s5+s6], $0x20, s2, s6, $0xb8;
	[tilespmem:$0x4200] =	vst v63  }
0x27: {  	_ = 	snop  }
0x28: {  	[tilespmem:s8], [sflag:$0x1] =	stream.indirect.gather [hbm4b:s5+s6], $0x20, s6, s6, $0xb8;
	[tilespmem:$0x4200] =	vst v63  }
0x29: {  	_ = 	snop  }
0x2a: {  	[tilespmem:s10], [sflag:$0x1] =	stream.indirect.gather [hbm4b:s5+s6], $0x20, s9, s6, $0xb8;
	[tilespmem:$0x4200] =	vst v63  }
0x2b: {  	_ = 	snop  }
0x2c: {  	[tilespmem:s12], [sflag:$0x1] =	stream.indirect.gather [hbm4b:s5+s6], $0x20, s11, s6, $0xb8;
	[tilespmem:$0x4200] =	vst v63  }
0x2d: {  	_ =	swait.ge [sflag:s13], $0x1000  }
0x2e: {  	[sflag:s13] =	ssyncset.done $0x0  }
0x2f: {  	[sflag:s13] =	ssyncadd.s32 $0xFFFFF000  }
0x30: {  	_ =	swait.ge [sflag:s13], $0x1000  }
0x31: {  	[sflag:s13] =	ssyncset.done $0x0  }
0x32: {  	[sflag:s13] =	ssyncadd.s32 $0xFFFFF000  }
0x33: {  	_ =	swait.ge [sflag:s13], $0x1000  }
0x34: {  	[sflag:s13] =	ssyncset.done $0x0  }
0x35: {  	[sflag:s13] =	ssyncadd.s32 $0xFFFFF000  }
0x36: {  	_ =	swait.ge [sflag:s13], $0x1000  }
.Ltmp1:
0x37: {  	[sflag:s13] =	ssyncset.done $0x0;
	(pc) =	sbr.rel @p0 .LBB2_1-.Ltmp1, $4  }
0x38: {  	[sflag:s13] =	ssyncadd.s32 $0xFFFFF000  }
0x39: {  	[hbm4b:s14+s2] =	stream.linear.scatter [tilespmem:s7], [sflag:$0x2], $0x4000, $0x38;
	[tilespmem:$0x4200] =	vst v63  }
0x3a: {  	_ =	swait.ge [sflag:s3], $0x4000  }
0x3b: {  	[sflag:s3] =	ssyncset.done $0x0  }
.LBB2_2:
0x3c: {  	[sflag:s3] =	ssyncadd.s32 $0xFFFFC000  }
0x3d: {  	_ =	sfence.sel $0x180000  }
0x3e: {  	[bflag:$0x0] =	sbarrier.arrive $0xFFFF  }
0x3f: {  	p0 =	sne.s32 s0, $0x0;
	_ =	strace $0x90000047  }
0x40: {  	s0 =	sadd.s32 @!p0 $0x100000, s1;
	[bflag:$0x2] =	sbarrier.arrive $0xFFFF  }
0x41: {  	[sflag:s0] =	ssyncadd.tile.s32 @!p0 $0x1;
	_ =	shalt  }
.Lfunc_end2:
_tile_overlayer_lowered:
.L_overlay_start_2:
0x42: {  	(tag) =	ssettag $0x2  }
0x43: {  	s0 =	rddreg [dreg:$0x0];
	s2 =	stileid.u32  }
0x44: {  	s1 =	rddreg [dreg:$0x1];
	p0 =	sne.s32 s2, $0x0  }
0x45: {  	s3 =	rddreg [dreg:$0x2];
	[bflag:$0x3] =	sbarrier.arrive $0xFFFF;
	s2 =	simm.s32 @!p0 $0x1C02  }
0x46: {  	[timem:s3], [sflag:s2] =	dma.local @!p0 [hbm:s0], s1  }
0x47: {  	s0 =	simm.s32 @!p0 $0x2  }
0x48: {  	_ =	swait.ge @!p0 [sflag:s0], s1  }
0x49: {  	s1 =	ssub.s32 @!p0 $0x0, s1;
	[sflag:s0] =	ssyncset.done @!p0 $0x0  }
0x4a: {  	[sflag:s0] =	ssyncadd.s32 @!p0 s1  }
0x4b: {  	[bflag:$0x3] =	sbarrier.arrive $0xFFFF  }
0x4c: {  	_ =	shalt  }

</sc_bundles>
